<compile_context>
chip_gen: v7x
topology: tpu7x:2x2x1
jax: 0.10.2.dev20260603
libtpu: 0.0.44.dev20260713+nightly
codegen_flags: <defaults>
</compile_context>

<pallas_src>
import functools

import jax
import jax.numpy as jnp
from jax import lax
from jax.experimental import pallas as pl
from jax.experimental.pallas import tpu as pltpu
from jax.experimental.pallas import tpu_sc as plsc

N = 10000
D = 128
H = 128
ET = 3
NT = 2
E = 320000

NP = 10240
BN = 1024
NB = NP // BN
ROWS = ET * NP
NQ = 4
QROWS = ROWS // NQ
TRASH = QROWS
SH_ROWS = QROWS + 8
NSC = 2
NSUB = 16
CH = 128
NCH = 160
IB = 40
NIB = NCH // IB
EP = NSUB * NCH * CH
EROWS = EP // CH
ZR = QROWS // NSUB


def _edge_mlp_body(x_ref, w1_ref, b1_ref, w2_ref, b2_ref, out_ref):
    x = x_ref[...]
    h = jnp.maximum(
        jnp.dot(x, w1_ref[0], preferred_element_type=jnp.float32) + b1_ref[0], 0.0)
    o = jnp.dot(h, w2_ref[0], preferred_element_type=jnp.float32) + b2_ref[0]
    out_ref[...] = jnp.maximum(o, 0.0)


def _idx_body(src_ref, dst_ref, et_ref, gidx_ref, sidx_ref):
    src = src_ref[...]
    dst = dst_ref[...]
    et = et_ref[...]
    gidx_ref[...] = et * NP + src
    grow = et * NP + dst
    for q in range(NQ):
        lo = q * QROWS
        inh = (grow >= lo) & (grow < lo + QROWS)
        sidx_ref[q] = jnp.where(inh, grow - lo, TRASH)


def _node_mlp_body(x_ref, a0_ref, a1_ref, a2_ref, nt_ref, w1_ref, b1_ref,
                   w2_ref, b2_ref, out_ref):
    x = x_ref[...]
    enc = jnp.concatenate(
        [jnp.maximum(x, 0.0), a0_ref[...], a1_ref[...], a2_ref[...]], axis=1)
    h0 = jnp.maximum(
        jnp.dot(enc, w1_ref[0], preferred_element_type=jnp.float32) + b1_ref[0], 0.0)
    o0 = jnp.dot(h0, w2_ref[0], preferred_element_type=jnp.float32) + b2_ref[0]
    h1 = jnp.maximum(
        jnp.dot(enc, w1_ref[1], preferred_element_type=jnp.float32) + b1_ref[1], 0.0)
    o1 = jnp.dot(h1, w2_ref[1], preferred_element_type=jnp.float32) + b2_ref[1]
    m = nt_ref[...]
    out_ref[...] = jnp.where(m == 0.0, o0, o1) + x


def _sc_agg_body(m_hbm, gidx_hbm, sidx_hbm, zeros_hbm, out_hbm,
                 agg_sh, gi_v, si_v, bufa, bufb, sema, semb):
    c = lax.axis_index("c")
    s = lax.axis_index("s")
    for p in range(NQ // NSC):
        q = c * (NQ // NSC) + p
        pltpu.sync_copy(zeros_hbm, agg_sh.at[pl.ds(s * ZR, ZR)])
        plsc.subcore_barrier()

        for ib in range(NIB):
            base = s * NCH + ib * IB
            pltpu.sync_copy(gidx_hbm.at[pl.ds(base, IB)], gi_v)
            pltpu.sync_copy(sidx_hbm.at[q].at[pl.ds(base, IB)], si_v)

            @pl.loop(0, IB, step=2)
            def _(i):
                ca = pltpu.async_copy(m_hbm.at[gi_v.at[i]], bufa, sema)
                cb = pltpu.async_copy(m_hbm.at[gi_v.at[i + 1]], bufb, semb)
                ca.wait()
                pltpu.sync_copy(bufa, agg_sh.at[si_v.at[i]], add=True)
                cb.wait()
                pltpu.sync_copy(bufb, agg_sh.at[si_v.at[i + 1]], add=True)

        plsc.subcore_barrier()
        pltpu.sync_copy(agg_sh.at[pl.ds(s * ZR, ZR)],
                        out_hbm.at[pl.ds(q * QROWS + s * ZR, ZR)])


def _sc_agg(m, gidx, sidx, zeros):
    mesh = plsc.VectorSubcoreMesh(core_axis_name="c", subcore_axis_name="s")
    f = pl.kernel(
        _sc_agg_body,
        out_type=jax.ShapeDtypeStruct((ROWS, D), jnp.float32),
        mesh=mesh,
        scratch_types=[
            pltpu.VMEM_SHARED((SH_ROWS, D), jnp.float32),
            pltpu.VMEM((IB, CH), jnp.int32),
            pltpu.VMEM((IB, CH), jnp.int32),
            pltpu.VMEM((CH, D), jnp.float32),
            pltpu.VMEM((CH, D), jnp.float32),
            pltpu.SemaphoreType.DMA,
            pltpu.SemaphoreType.DMA,
        ],
    )
    return f(m, gidx, sidx, zeros)


def kernel(node_feature, edge_index, edge_type, node_type, params):
    f32 = jnp.float32
    w1e = jnp.stack([params["edge"][i][0] for i in range(ET)])
    b1e = jnp.stack([params["edge"][i][1] for i in range(ET)]).reshape(ET, 1, H)
    w2e = jnp.stack([params["edge"][i][2] for i in range(ET)])
    b2e = jnp.stack([params["edge"][i][3] for i in range(ET)]).reshape(ET, 1, D)
    w1n = jnp.stack([params["node"][t][0] for t in range(NT)])
    b1n = jnp.stack([params["node"][t][1] for t in range(NT)]).reshape(NT, 1, H)
    w2n = jnp.stack([params["node"][t][2] for t in range(NT)])
    b2n = jnp.stack([params["node"][t][3] for t in range(NT)]).reshape(NT, 1, D)

    xp = jnp.pad(node_feature, ((0, NP - N), (0, 0)))
    pad = EP - E
    srcp = jnp.concatenate(
        [edge_index[0], jnp.zeros((pad,), jnp.int32)]).reshape(EROWS, CH)
    dstp = jnp.concatenate(
        [edge_index[1], jnp.full((pad,), -1, jnp.int32)]).reshape(EROWS, CH)
    etp = jnp.concatenate(
        [edge_type, jnp.zeros((pad,), jnp.int32)]).reshape(EROWS, CH)

    m = pl.pallas_call(
        _edge_mlp_body,
        grid=(ET, NB),
        in_specs=[
            pl.BlockSpec((BN, D), lambda t, j: (j, 0)),
            pl.BlockSpec((1, D, H), lambda t, j: (t, 0, 0)),
            pl.BlockSpec((1, 1, H), lambda t, j: (t, 0, 0)),
            pl.BlockSpec((1, H, D), lambda t, j: (t, 0, 0)),
            pl.BlockSpec((1, 1, D), lambda t, j: (t, 0, 0)),
        ],
        out_specs=pl.BlockSpec((BN, D), lambda t, j: (t * NB + j, 0)),
        out_shape=jax.ShapeDtypeStruct((ROWS, D), f32),
    )(xp, w1e, b1e, w2e, b2e)

    gidx, sidx = pl.pallas_call(
        _idx_body,
        out_shape=(
            jax.ShapeDtypeStruct((EROWS, CH), jnp.int32),
            jax.ShapeDtypeStruct((NQ, EROWS, CH), jnp.int32),
        ),
    )(srcp, dstp, etp)

    zeros = jnp.zeros((ZR, D), f32)
    agg = _sc_agg(m, gidx, sidx, zeros)

    ntp = jnp.pad(node_type, (0, NP - N)).astype(f32).reshape(NP, 1)
    outp = pl.pallas_call(
        _node_mlp_body,
        grid=(NB,),
        in_specs=[
            pl.BlockSpec((BN, D), lambda j: (j, 0)),
            pl.BlockSpec((BN, D), lambda j: (j, 0)),
            pl.BlockSpec((BN, D), lambda j: (NB + j, 0)),
            pl.BlockSpec((BN, D), lambda j: (2 * NB + j, 0)),
            pl.BlockSpec((BN, 1), lambda j: (j, 0)),
            pl.BlockSpec((NT, D + ET * D, H), lambda j: (0, 0, 0)),
            pl.BlockSpec((NT, 1, H), lambda j: (0, 0, 0)),
            pl.BlockSpec((NT, H, D), lambda j: (0, 0, 0)),
            pl.BlockSpec((NT, 1, D), lambda j: (0, 0, 0)),
        ],
        out_specs=pl.BlockSpec((BN, D), lambda j: (j, 0)),
        out_shape=jax.ShapeDtypeStruct((NP, D), f32),
    )(xp, agg, agg, agg, ntp, w1n, b1n, w2n, b2n)
    return outp[:N]

# --- scband reference (transcript-rebuilt; emitter-appended) ---
"""Pipeline reference for scband-relational-graph-layer-33998961115151 (READ-ONLY COPY).

The authoritative reference and input builder live on the scoring server;
editing this copy changes nothing except your own understanding.
"""

import jax, jax.numpy as jnp
import numpy as np

N = 10000
E = 320000
D = 128          # input/output/init node dim
H = 128          # MLP hidden width (updater_conf num_neurons=[128])
NT = 2           # node types
ET = 3           # edge types
NODE_IN = D + D * ET  # 512, node updater input dim (no concat)


def _mlp(x, W1, b1, W2, b2):
    h = jnp.maximum(x @ W1 + b1, 0.0)
    return h @ W2 + b2


def setup_inputs(seed: int = 0) -> dict:
    key = jax.random.key(seed)
    ks = jax.random.split(key, 8 + 4 * (ET + NT))
    node_feature = jax.random.normal(ks[0], (N, D), dtype=jnp.float32)
    edge_index = jax.random.randint(ks[1], (2, E), 0, N, dtype=jnp.int32)
    edge_type = jax.random.randint(ks[2], (E,), 0, ET, dtype=jnp.int32)
    node_type = jax.random.randint(ks[3], (N,), 0, NT, dtype=jnp.int32)
    ki = 8
    edge_params = []
    for i in range(ET):
        W1 = jax.random.normal(ks[ki + 0], (D, H), dtype=jnp.float32) / np.sqrt(D)
        b1 = jnp.zeros((H,), dtype=jnp.float32)
        W2 = jax.random.normal(ks[ki + 1], (H, D), dtype=jnp.float32) / np.sqrt(H)
        b2 = jnp.zeros((D,), dtype=jnp.float32)
        edge_params.append((W1, b1, W2, b2))
        ki += 2
    node_params = []
    for t in range(NT):
        W1 = jax.random.normal(ks[ki + 0], (NODE_IN, H), dtype=jnp.float32) / np.sqrt(NODE_IN)
        b1 = jnp.zeros((H,), dtype=jnp.float32)
        W2 = jax.random.normal(ks[ki + 1], (H, D), dtype=jnp.float32) / np.sqrt(H)
        b2 = jnp.zeros((D,), dtype=jnp.float32)
        node_params.append((W1, b1, W2, b2))
        ki += 2
    params = {"edge": edge_params, "node": node_params}
    return {
        "node_feature": node_feature,
        "edge_index": edge_index,
        "edge_type": edge_type,
        "node_type": node_type,
        "params": params,
    }


def reference(node_feature, edge_index, edge_type, node_type, params):
    src = edge_index[0]
    dst = edge_index[1]
    src_feat = jnp.take(node_feature, src, axis=0)  # [E, D] gather
    aggs = []
    for i in range(ET):
        W1, b1, W2, b2 = params["edge"][i]
        msg = jnp.maximum(_mlp(src_feat, W1, b1, W2, b2), 0.0)  # F.relu(updater(.))
        mask = (edge_type == i).astype(msg.dtype)[:, None]
        msg = msg * mask  # zeros for edges of other relations
        agg = jax.ops.segment_sum(msg, dst, num_segments=N)  # mailbox sum reduce
        aggs.append(agg)
    node_enc_input = jnp.concatenate([jnp.maximum(node_feature, 0.0)] + aggs, axis=1)  # [N, 512]
    out = jnp.zeros((N, D), dtype=node_feature.dtype)
    for t in range(NT):
        W1, b1, W2, b2 = params["node"][t]
        o = _mlp(node_enc_input, W1, b1, W2, b2)
        tmask = (node_type == t).astype(o.dtype)[:, None]
        out = out + o * tmask  # apply_nodes only on nodes of type t
    # use_residual=True
    return out + node_feature

if __name__ == "__main__":
    import jax
    _d = setup_inputs()
    print(jax.jit(kernel)(*tuple(_d.values())))

</pallas_src>

<mosaic_0001>
#map = affine_map<(d0, d1) -> (0, 0)>
#map1 = affine_map<(d0, d1) -> (0, 0, 0)>
module attributes {stable_mosaic.version = 14 : i64} {
  func.func @_sc_agg_body(%arg0: i32, %arg1: i32, %arg2: memref<30720x128xf32, #tpu.memory_space<hbm>>, %arg3: memref<2560x128xi32, #tpu.memory_space<hbm>>, %arg4: memref<4x2560x128xi32, #tpu.memory_space<hbm>>, %arg5: memref<480x128xf32, #tpu.memory_space<hbm>>, %arg6: memref<30720x128xf32, #tpu.memory_space<hbm>>, %arg7: memref<7688x128xf32, #tpu.memory_space<vmem_shared>>, %arg8: memref<40x128xi32, #tpu.memory_space<vmem>>, %arg9: memref<40x128xi32, #tpu.memory_space<vmem>>, %arg10: memref<128x128xf32, #tpu.memory_space<vmem>>, %arg11: memref<128x128xf32, #tpu.memory_space<vmem>>, %arg12: memref<!tpu.dma_semaphore, #tpu.memory_space<semaphore_mem>>, %arg13: memref<!tpu.dma_semaphore, #tpu.memory_space<semaphore_mem>>) attributes {dimension_semantics = [#tpu.dimension_semantics<core_parallel>, #tpu.dimension_semantics<subcore_parallel>], iteration_bounds = array<i64: 2, 16>, scalar_prefetch = 0 : i64, scratch_operands = 7 : i64, tpu.core_type = #tpu.core_type<sc_vector_subcore>, window_params = [{transform_indices = #map}, {transform_indices = #map}, {transform_indices = #map1}, {transform_indices = #map}, {transform_indices = #map}]} {
    %mul3A = arith.constant 2 : i32
    %mul3A_0 = arith.muli %arg0, %mul3A : i32
    %add3A = arith.constant 0 : i32
    %add3A_1 = arith.addi %mul3A_0, %add3A : i32
    %mul3A_2 = arith.constant 480 : i32
    %mul3A_3 = arith.muli %arg1, %mul3A_2 : i32
    "tpu.region"() ({
      %run_scoped3A = tpu.sem_alloc : memref<!tpu.dma_semaphore, #tpu.memory_space<semaphore_mem>>
      %dma_start3A = arith.constant 0 : i32
      %dma_start3A_98 = tpu.memref_slice %arg7[%mul3A_3, %dma_start3A] : memref<7688x128xf32, #tpu.memory_space<vmem_shared>> -> memref<480x128xf32, #tpu.memory_space<vmem_shared>>
      tpu.enqueue_dma source(%arg5 : memref<480x128xf32, #tpu.memory_space<hbm>>) target(%dma_start3A_98 : memref<480x128xf32, #tpu.memory_space<vmem_shared>>) target_semaphore(%run_scoped3A : memref<!tpu.dma_semaphore, #tpu.memory_space<semaphore_mem>>)
      %dma_wait3A = arith.constant 0 : i32
      %dma_wait3A_99 = tpu.memref_slice %arg7[%mul3A_3, %dma_wait3A] : memref<7688x128xf32, #tpu.memory_space<vmem_shared>> -> memref<480x128xf32, #tpu.memory_space<vmem_shared>>
      tpu.wait_dma2 semaphore(%run_scoped3A : memref<!tpu.dma_semaphore, #tpu.memory_space<semaphore_mem>>) src(%arg5 : memref<480x128xf32, #tpu.memory_space<hbm>>) dst(%dma_wait3A_99 : memref<480x128xf32, #tpu.memory_space<vmem_shared>>)
      tpu.yield
    }) : () -> ()
    %barrier3A = arith.constant 0 : index
    tpu.barrier barrier_id(%barrier3A)
    %mul3A_4 = arith.constant 160 : i32
    %mul3A_5 = arith.muli %arg1, %mul3A_4 : i32
    %add3A_6 = arith.constant 0 : i32
    %add3A_7 = arith.addi %mul3A_5, %add3A_6 : i32
    "tpu.region"() ({
      %run_scoped3A = tpu.sem_alloc : memref<!tpu.dma_semaphore, #tpu.memory_space<semaphore_mem>>
      %dma_start3A = arith.constant 0 : i32
      %dma_start3A_98 = tpu.memref_slice %arg3[%add3A_7, %dma_start3A] : memref<2560x128xi32, #tpu.memory_space<hbm>> -> memref<40x128xi32, #tpu.memory_space<hbm>>
      %dma_start3A_99 = arith.constant 0 : i32
      %dma_start3A_100 = tpu.memref_slice %arg3[%add3A_7, %dma_start3A_99] : memref<2560x128xi32, #tpu.memory_space<hbm>> -> memref<40x128xi32, #tpu.memory_space<hbm>>
      tpu.enqueue_dma source(%dma_start3A_100 : memref<40x128xi32, #tpu.memory_space<hbm>>) target(%arg8 : memref<40x128xi32, #tpu.memory_space<vmem>>) target_semaphore(%run_scoped3A : memref<!tpu.dma_semaphore, #tpu.memory_space<semaphore_mem>>)
      %dma_wait3A = arith.constant 0 : i32
      %dma_wait3A_101 = tpu.memref_slice %arg3[%add3A_7, %dma_wait3A] : memref<2560x128xi32, #tpu.memory_space<hbm>> -> memref<40x128xi32, #tpu.memory_space<hbm>>
      %dma_wait3A_102 = arith.constant 0 : i32
      %dma_wait3A_103 = tpu.memref_slice %arg3[%add3A_7, %dma_wait3A_102] : memref<2560x128xi32, #tpu.memory_space<hbm>> -> memref<40x128xi32, #tpu.memory_space<hbm>>
      tpu.wait_dma2 semaphore(%run_scoped3A : memref<!tpu.dma_semaphore, #tpu.memory_space<semaphore_mem>>) src(%dma_wait3A_103 : memref<40x128xi32, #tpu.memory_space<hbm>>) dst(%arg8 : memref<40x128xi32, #tpu.memory_space<vmem>>)
      tpu.yield
    }) : () -> ()
    "tpu.region"() ({
      %run_scoped3A = tpu.sem_alloc : memref<!tpu.dma_semaphore, #tpu.memory_space<semaphore_mem>>
      %dma_start3A = arith.constant 0 : i32
      %dma_start3A_98 = arith.constant 0 : i32
      %dma_start3A_99 = tpu.memref_slice %arg4[%add3A_1, %dma_start3A, %dma_start3A_98] : memref<4x2560x128xi32, #tpu.memory_space<hbm>> -> memref<1x2560x128xi32, #tpu.memory_space<hbm>>
      %dma_start3A_100 = tpu.memref_squeeze %dma_start3A_99 : memref<1x2560x128xi32, #tpu.memory_space<hbm>> -> memref<2560x128xi32, #tpu.memory_space<hbm>>
      %dma_start3A_101 = arith.constant 0 : i32
      %dma_start3A_102 = tpu.memref_slice %dma_start3A_100[%add3A_7, %dma_start3A_101] : memref<2560x128xi32, #tpu.memory_space<hbm>> -> memref<40x128xi32, #tpu.memory_space<hbm>>
      %dma_start3A_103 = arith.constant 0 : i32
      %dma_start3A_104 = arith.constant 0 : i32
      %dma_start3A_105 = tpu.memref_slice %arg4[%add3A_1, %dma_start3A_103, %dma_start3A_104] : memref<4x2560x128xi32, #tpu.memory_space<hbm>> -> memref<1x2560x128xi32, #tpu.memory_space<hbm>>
      %dma_start3A_106 = tpu.memref_squeeze %dma_start3A_105 : memref<1x2560x128xi32, #tpu.memory_space<hbm>> -> memref<2560x128xi32, #tpu.memory_space<hbm>>
      %dma_start3A_107 = arith.constant 0 : i32
      %dma_start3A_108 = tpu.memref_slice %dma_start3A_106[%add3A_7, %dma_start3A_107] : memref<2560x128xi32, #tpu.memory_space<hbm>> -> memref<40x128xi32, #tpu.memory_space<hbm>>
      tpu.enqueue_dma source(%dma_start3A_108 : memref<40x128xi32, #tpu.memory_space<hbm>>) target(%arg9 : memref<40x128xi32, #tpu.memory_space<vmem>>) target_semaphore(%run_scoped3A : memref<!tpu.dma_semaphore, #tpu.memory_space<semaphore_mem>>)
      %dma_wait3A = arith.constant 0 : i32
      %dma_wait3A_109 = arith.constant 0 : i32
      %dma_wait3A_110 = tpu.memref_slice %arg4[%add3A_1, %dma_wait3A, %dma_wait3A_109] : memref<4x2560x128xi32, #tpu.memory_space<hbm>> -> memref<1x2560x128xi32, #tpu.memory_space<hbm>>
      %dma_wait3A_111 = tpu.memref_squeeze %dma_wait3A_110 : memref<1x2560x128xi32, #tpu.memory_space<hbm>> -> memref<2560x128xi32, #tpu.memory_space<hbm>>
      %dma_wait3A_112 = arith.constant 0 : i32
      %dma_wait3A_113 = tpu.memref_slice %dma_wait3A_111[%add3A_7, %dma_wait3A_112] : memref<2560x128xi32, #tpu.memory_space<hbm>> -> memref<40x128xi32, #tpu.memory_space<hbm>>
      %dma_wait3A_114 = arith.constant 0 : i32
      %dma_wait3A_115 = arith.constant 0 : i32
      %dma_wait3A_116 = tpu.memref_slice %arg4[%add3A_1, %dma_wait3A_114, %dma_wait3A_115] : memref<4x2560x128xi32, #tpu.memory_space<hbm>> -> memref<1x2560x128xi32, #tpu.memory_space<hbm>>
      %dma_wait3A_117 = tpu.memref_squeeze %dma_wait3A_116 : memref<1x2560x128xi32, #tpu.memory_space<hbm>> -> memref<2560x128xi32, #tpu.memory_space<hbm>>
      %dma_wait3A_118 = arith.constant 0 : i32
      %dma_wait3A_119 = tpu.memref_slice %dma_wait3A_117[%add3A_7, %dma_wait3A_118] : memref<2560x128xi32, #tpu.memory_space<hbm>> -> memref<40x128xi32, #tpu.memory_space<hbm>>
      tpu.wait_dma2 semaphore(%run_scoped3A : memref<!tpu.dma_semaphore, #tpu.memory_space<semaphore_mem>>) src(%dma_wait3A_119 : memref<40x128xi32, #tpu.memory_space<hbm>>) dst(%arg9 : memref<40x128xi32, #tpu.memory_space<vmem>>)
      tpu.yield
    }) : () -> ()
    %scan3A = arith.constant 0 : i32
    %scan3A_8 = arith.constant 20 : i32
    %scan3A_9 = arith.addi %scan3A, %scan3A_8 : i32
    %scan3A_10 = arith.constant 1 : i32
    scf.for %scan3A_98 = %scan3A to %scan3A_9 step %scan3A_10  : i32 {
      %mul3A_99 = arith.constant 2 : i32
      %mul3A_100 = arith.muli %scan3A_98, %mul3A_99 : i32
      %add3A_101 = arith.constant 0 : i32
      %add3A_102 = arith.addi %add3A_101, %mul3A_100 : i32
      %dma_start3A = arith.constant 0 : i32
      %dma_start3A_103 = tpu.memref_slice %arg8[%add3A_102, %dma_start3A] : memref<40x128xi32, #tpu.memory_space<vmem>> -> memref<1x128xi32, #tpu.memory_space<vmem>>
      %dma_start3A_104 = tpu.memref_squeeze %dma_start3A_103 : memref<1x128xi32, #tpu.memory_space<vmem>> -> memref<128xi32, #tpu.memory_space<vmem>>
      %dma_start3A_105 = arith.constant 0 : i32
      %dma_start3A_106 = arith.constant 0 : i32
      %dma_start3A_107 = tpu.memref_slice %arg2[%dma_start3A_105, %dma_start3A_106] : memref<30720x128xf32, #tpu.memory_space<hbm>> -> memref<30720x128xf32, #tpu.memory_space<hbm>>
      tpu.enqueue_indirect_dma source(%dma_start3A_107 : memref<30720x128xf32, #tpu.memory_space<hbm>>) target(%arg10 : memref<128x128xf32, #tpu.memory_space<vmem>>) offsets(%dma_start3A_104 : memref<128xi32, #tpu.memory_space<vmem>>) semaphore(%arg12 : memref<!tpu.dma_semaphore, #tpu.memory_space<semaphore_mem>>)
      %add3A_108 = arith.constant 1 : i32
      %add3A_109 = arith.addi %add3A_102, %add3A_108 : i32
      %dma_start3A_110 = arith.constant 0 : i32
      %dma_start3A_111 = tpu.memref_slice %arg8[%add3A_109, %dma_start3A_110] : memref<40x128xi32, #tpu.memory_space<vmem>> -> memref<1x128xi32, #tpu.memory_space<vmem>>
      %dma_start3A_112 = tpu.memref_squeeze %dma_start3A_111 : memref<1x128xi32, #tpu.memory_space<vmem>> -> memref<128xi32, #tpu.memory_space<vmem>>
      %dma_start3A_113 = arith.constant 0 : i32
      %dma_start3A_114 = arith.constant 0 : i32
      %dma_start3A_115 = tpu.memref_slice %arg2[%dma_start3A_113, %dma_start3A_114] : memref<30720x128xf32, #tpu.memory_space<hbm>> -> memref<30720x128xf32, #tpu.memory_space<hbm>>
      tpu.enqueue_indirect_dma source(%dma_start3A_115 : memref<30720x128xf32, #tpu.memory_space<hbm>>) target(%arg11 : memref<128x128xf32, #tpu.memory_space<vmem>>) offsets(%dma_start3A_112 : memref<128xi32, #tpu.memory_space<vmem>>) semaphore(%arg13 : memref<!tpu.dma_semaphore, #tpu.memory_space<semaphore_mem>>)
      %dma_wait3A = arith.constant 0 : i32
      %dma_wait3A_116 = tpu.memref_slice %arg8[%add3A_102, %dma_wait3A] : memref<40x128xi32, #tpu.memory_space<vmem>> -> memref<1x128xi32, #tpu.memory_space<vmem>>
      %dma_wait3A_117 = tpu.memref_squeeze %dma_wait3A_116 : memref<1x128xi32, #tpu.memory_space<vmem>> -> memref<128xi32, #tpu.memory_space<vmem>>
      %dma_wait3A_118 = arith.constant 0 : i32
      %dma_wait3A_119 = arith.constant 0 : i32
      %dma_wait3A_120 = tpu.memref_slice %arg2[%dma_wait3A_118, %dma_wait3A_119] : memref<30720x128xf32, #tpu.memory_space<hbm>> -> memref<30720x128xf32, #tpu.memory_space<hbm>>
      tpu.wait_indirect_dma semaphore(%arg12 : memref<!tpu.dma_semaphore, #tpu.memory_space<semaphore_mem>>) src(%dma_wait3A_120 : memref<30720x128xf32, #tpu.memory_space<hbm>>) dst(%arg10 : memref<128x128xf32, #tpu.memory_space<vmem>>)
      "tpu.region"() ({
        %run_scoped3A = tpu.sem_alloc : memref<!tpu.dma_semaphore, #tpu.memory_space<semaphore_mem>>
        %dma_start3A_129 = arith.constant 0 : i32
        %dma_start3A_130 = tpu.memref_slice %arg9[%add3A_102, %dma_start3A_129] : memref<40x128xi32, #tpu.memory_space<vmem>> -> memref<1x128xi32, #tpu.memory_space<vmem>>
        %dma_start3A_131 = tpu.memref_squeeze %dma_start3A_130 : memref<1x128xi32, #tpu.memory_space<vmem>> -> memref<128xi32, #tpu.memory_space<vmem>>
        %dma_start3A_132 = arith.constant 0 : i32
        %dma_start3A_133 = arith.constant 0 : i32
        %dma_start3A_134 = tpu.memref_slice %arg7[%dma_start3A_132, %dma_start3A_133] : memref<7688x128xf32, #tpu.memory_space<vmem_shared>> -> memref<7688x128xf32, #tpu.memory_space<vmem_shared>>
        tpu.enqueue_indirect_dma source(%arg10 : memref<128x128xf32, #tpu.memory_space<vmem>>) target(%dma_start3A_134 : memref<7688x128xf32, #tpu.memory_space<vmem_shared>>) offsets(%dma_start3A_131 : memref<128xi32, #tpu.memory_space<vmem>>) semaphore(%run_scoped3A : memref<!tpu.dma_semaphore, #tpu.memory_space<semaphore_mem>>) {add = true}
        %dma_wait3A_135 = arith.constant 0 : i32
        %dma_wait3A_136 = tpu.memref_slice %arg9[%add3A_102, %dma_wait3A_135] : memref<40x128xi32, #tpu.memory_space<vmem>> -> memref<1x128xi32, #tpu.memory_space<vmem>>
        %dma_wait3A_137 = tpu.memref_squeeze %dma_wait3A_136 : memref<1x128xi32, #tpu.memory_space<vmem>> -> memref<128xi32, #tpu.memory_space<vmem>>
        %dma_wait3A_138 = arith.constant 0 : i32
        %dma_wait3A_139 = arith.constant 0 : i32
        %dma_wait3A_140 = tpu.memref_slice %arg7[%dma_wait3A_138, %dma_wait3A_139] : memref<7688x128xf32, #tpu.memory_space<vmem_shared>> -> memref<7688x128xf32, #tpu.memory_space<vmem_shared>>
        tpu.wait_indirect_dma semaphore(%run_scoped3A : memref<!tpu.dma_semaphore, #tpu.memory_space<semaphore_mem>>) src(%arg10 : memref<128x128xf32, #tpu.memory_space<vmem>>) dst(%dma_wait3A_140 : memref<7688x128xf32, #tpu.memory_space<vmem_shared>>)
        tpu.yield
      }) : () -> ()
      %dma_wait3A_121 = arith.constant 0 : i32
      %dma_wait3A_122 = tpu.memref_slice %arg8[%add3A_109, %dma_wait3A_121] : memref<40x128xi32, #tpu.memory_space<vmem>> -> memref<1x128xi32, #tpu.memory_space<vmem>>
      %dma_wait3A_123 = tpu.memref_squeeze %dma_wait3A_122 : memref<1x128xi32, #tpu.memory_space<vmem>> -> memref<128xi32, #tpu.memory_space<vmem>>
      %dma_wait3A_124 = arith.constant 0 : i32
      %dma_wait3A_125 = arith.constant 0 : i32
      %dma_wait3A_126 = tpu.memref_slice %arg2[%dma_wait3A_124, %dma_wait3A_125] : memref<30720x128xf32, #tpu.memory_space<hbm>> -> memref<30720x128xf32, #tpu.memory_space<hbm>>
      tpu.wait_indirect_dma semaphore(%arg13 : memref<!tpu.dma_semaphore, #tpu.memory_space<semaphore_mem>>) src(%dma_wait3A_126 : memref<30720x128xf32, #tpu.memory_space<hbm>>) dst(%arg11 : memref<128x128xf32, #tpu.memory_space<vmem>>)
      %add3A_127 = arith.constant 1 : i32
      %add3A_128 = arith.addi %add3A_102, %add3A_127 : i32
      "tpu.region"() ({
        %run_scoped3A = tpu.sem_alloc : memref<!tpu.dma_semaphore, #tpu.memory_space<semaphore_mem>>
        %dma_start3A_129 = arith.constant 0 : i32
        %dma_start3A_130 = tpu.memref_slice %arg9[%add3A_128, %dma_start3A_129] : memref<40x128xi32, #tpu.memory_space<vmem>> -> memref<1x128xi32, #tpu.memory_space<vmem>>
        %dma_start3A_131 = tpu.memref_squeeze %dma_start3A_130 : memref<1x128xi32, #tpu.memory_space<vmem>> -> memref<128xi32, #tpu.memory_space<vmem>>
        %dma_start3A_132 = arith.constant 0 : i32
        %dma_start3A_133 = arith.constant 0 : i32
        %dma_start3A_134 = tpu.memref_slice %arg7[%dma_start3A_132, %dma_start3A_133] : memref<7688x128xf32, #tpu.memory_space<vmem_shared>> -> memref<7688x128xf32, #tpu.memory_space<vmem_shared>>
        tpu.enqueue_indirect_dma source(%arg11 : memref<128x128xf32, #tpu.memory_space<vmem>>) target(%dma_start3A_134 : memref<7688x128xf32, #tpu.memory_space<vmem_shared>>) offsets(%dma_start3A_131 : memref<128xi32, #tpu.memory_space<vmem>>) semaphore(%run_scoped3A : memref<!tpu.dma_semaphore, #tpu.memory_space<semaphore_mem>>) {add = true}
        %dma_wait3A_135 = arith.constant 0 : i32
        %dma_wait3A_136 = tpu.memref_slice %arg9[%add3A_128, %dma_wait3A_135] : memref<40x128xi32, #tpu.memory_space<vmem>> -> memref<1x128xi32, #tpu.memory_space<vmem>>
        %dma_wait3A_137 = tpu.memref_squeeze %dma_wait3A_136 : memref<1x128xi32, #tpu.memory_space<vmem>> -> memref<128xi32, #tpu.memory_space<vmem>>
        %dma_wait3A_138 = arith.constant 0 : i32
        %dma_wait3A_139 = arith.constant 0 : i32
        %dma_wait3A_140 = tpu.memref_slice %arg7[%dma_wait3A_138, %dma_wait3A_139] : memref<7688x128xf32, #tpu.memory_space<vmem_shared>> -> memref<7688x128xf32, #tpu.memory_space<vmem_shared>>
        tpu.wait_indirect_dma semaphore(%run_scoped3A : memref<!tpu.dma_semaphore, #tpu.memory_space<semaphore_mem>>) src(%arg11 : memref<128x128xf32, #tpu.memory_space<vmem>>) dst(%dma_wait3A_140 : memref<7688x128xf32, #tpu.memory_space<vmem_shared>>)
        tpu.yield
      }) : () -> ()
    }
    %scan3A_11 = arith.constant 20 : i32
    %mul3A_12 = arith.constant 160 : i32
    %mul3A_13 = arith.muli %arg1, %mul3A_12 : i32
    %add3A_14 = arith.constant 40 : i32
    %add3A_15 = arith.addi %mul3A_13, %add3A_14 : i32
    "tpu.region"() ({
      %run_scoped3A = tpu.sem_alloc : memref<!tpu.dma_semaphore, #tpu.memory_space<semaphore_mem>>
      %dma_start3A = arith.constant 0 : i32
      %dma_start3A_98 = tpu.memref_slice %arg3[%add3A_15, %dma_start3A] : memref<2560x128xi32, #tpu.memory_space<hbm>> -> memref<40x128xi32, #tpu.memory_space<hbm>>
      %dma_start3A_99 = arith.constant 0 : i32
      %dma_start3A_100 = tpu.memref_slice %arg3[%add3A_15, %dma_start3A_99] : memref<2560x128xi32, #tpu.memory_space<hbm>> -> memref<40x128xi32, #tpu.memory_space<hbm>>
      tpu.enqueue_dma source(%dma_start3A_100 : memref<40x128xi32, #tpu.memory_space<hbm>>) target(%arg8 : memref<40x128xi32, #tpu.memory_space<vmem>>) target_semaphore(%run_scoped3A : memref<!tpu.dma_semaphore, #tpu.memory_space<semaphore_mem>>)
      %dma_wait3A = arith.constant 0 : i32
      %dma_wait3A_101 = tpu.memref_slice %arg3[%add3A_15, %dma_wait3A] : memref<2560x128xi32, #tpu.memory_space<hbm>> -> memref<40x128xi32, #tpu.memory_space<hbm>>
      %dma_wait3A_102 = arith.constant 0 : i32
      %dma_wait3A_103 = tpu.memref_slice %arg3[%add3A_15, %dma_wait3A_102] : memref<2560x128xi32, #tpu.memory_space<hbm>> -> memref<40x128xi32, #tpu.memory_space<hbm>>
      tpu.wait_dma2 semaphore(%run_scoped3A : memref<!tpu.dma_semaphore, #tpu.memory_space<semaphore_mem>>) src(%dma_wait3A_103 : memref<40x128xi32, #tpu.memory_space<hbm>>) dst(%arg8 : memref<40x128xi32, #tpu.memory_space<vmem>>)
      tpu.yield
    }) : () -> ()
    "tpu.region"() ({
      %run_scoped3A = tpu.sem_alloc : memref<!tpu.dma_semaphore, #tpu.memory_space<semaphore_mem>>
      %dma_start3A = arith.constant 0 : i32
      %dma_start3A_98 = arith.constant 0 : i32
      %dma_start3A_99 = tpu.memref_slice %arg4[%add3A_1, %dma_start3A, %dma_start3A_98] : memref<4x2560x128xi32, #tpu.memory_space<hbm>> -> memref<1x2560x128xi32, #tpu.memory_space<hbm>>
      %dma_start3A_100 = tpu.memref_squeeze %dma_start3A_99 : memref<1x2560x128xi32, #tpu.memory_space<hbm>> -> memref<2560x128xi32, #tpu.memory_space<hbm>>
      %dma_start3A_101 = arith.constant 0 : i32
      %dma_start3A_102 = tpu.memref_slice %dma_start3A_100[%add3A_15, %dma_start3A_101] : memref<2560x128xi32, #tpu.memory_space<hbm>> -> memref<40x128xi32, #tpu.memory_space<hbm>>
      %dma_start3A_103 = arith.constant 0 : i32
      %dma_start3A_104 = arith.constant 0 : i32
      %dma_start3A_105 = tpu.memref_slice %arg4[%add3A_1, %dma_start3A_103, %dma_start3A_104] : memref<4x2560x128xi32, #tpu.memory_space<hbm>> -> memref<1x2560x128xi32, #tpu.memory_space<hbm>>
      %dma_start3A_106 = tpu.memref_squeeze %dma_start3A_105 : memref<1x2560x128xi32, #tpu.memory_space<hbm>> -> memref<2560x128xi32, #tpu.memory_space<hbm>>
      %dma_start3A_107 = arith.constant 0 : i32
      %dma_start3A_108 = tpu.memref_slice %dma_start3A_106[%add3A_15, %dma_start3A_107] : memref<2560x128xi32, #tpu.memory_space<hbm>> -> memref<40x128xi32, #tpu.memory_space<hbm>>
      tpu.enqueue_dma source(%dma_start3A_108 : memref<40x128xi32, #tpu.memory_space<hbm>>) target(%arg9 : memref<40x128xi32, #tpu.memory_space<vmem>>) target_semaphore(%run_scoped3A : memref<!tpu.dma_semaphore, #tpu.memory_space<semaphore_mem>>)
      %dma_wait3A = arith.constant 0 : i32
      %dma_wait3A_109 = arith.constant 0 : i32
      %dma_wait3A_110 = tpu.memref_slice %arg4[%add3A_1, %dma_wait3A, %dma_wait3A_109] : memref<4x2560x128xi32, #tpu.memory_space<hbm>> -> memref<1x2560x128xi32, #tpu.memory_space<hbm>>
      %dma_wait3A_111 = tpu.memref_squeeze %dma_wait3A_110 : memref<1x2560x128xi32, #tpu.memory_space<hbm>> -> memref<2560x128xi32, #tpu.memory_space<hbm>>
      %dma_wait3A_112 = arith.constant 0 : i32
      %dma_wait3A_113 = tpu.memref_slice %dma_wait3A_111[%add3A_15, %dma_wait3A_112] : memref<2560x128xi32, #tpu.memory_space<hbm>> -> memref<40x128xi32, #tpu.memory_space<hbm>>
      %dma_wait3A_114 = arith.constant 0 : i32
      %dma_wait3A_115 = arith.constant 0 : i32
      %dma_wait3A_116 = tpu.memref_slice %arg4[%add3A_1, %dma_wait3A_114, %dma_wait3A_115] : memref<4x2560x128xi32, #tpu.memory_space<hbm>> -> memref<1x2560x128xi32, #tpu.memory_space<hbm>>
      %dma_wait3A_117 = tpu.memref_squeeze %dma_wait3A_116 : memref<1x2560x128xi32, #tpu.memory_space<hbm>> -> memref<2560x128xi32, #tpu.memory_space<hbm>>
      %dma_wait3A_118 = arith.constant 0 : i32
      %dma_wait3A_119 = tpu.memref_slice %dma_wait3A_117[%add3A_15, %dma_wait3A_118] : memref<2560x128xi32, #tpu.memory_space<hbm>> -> memref<40x128xi32, #tpu.memory_space<hbm>>
      tpu.wait_dma2 semaphore(%run_scoped3A : memref<!tpu.dma_semaphore, #tpu.memory_space<semaphore_mem>>) src(%dma_wait3A_119 : memref<40x128xi32, #tpu.memory_space<hbm>>) dst(%arg9 : memref<40x128xi32, #tpu.memory_space<vmem>>)
      tpu.yield
    }) : () -> ()
    %scan3A_16 = arith.constant 0 : i32
    %scan3A_17 = arith.constant 20 : i32
    %scan3A_18 = arith.addi %scan3A_16, %scan3A_17 : i32
    %scan3A_19 = arith.constant 1 : i32
    scf.for %scan3A_98 = %scan3A_16 to %scan3A_18 step %scan3A_19  : i32 {
      %mul3A_99 = arith.constant 2 : i32
      %mul3A_100 = arith.muli %scan3A_98, %mul3A_99 : i32
      %add3A_101 = arith.constant 0 : i32
      %add3A_102 = arith.addi %add3A_101, %mul3A_100 : i32
      %dma_start3A = arith.constant 0 : i32
      %dma_start3A_103 = tpu.memref_slice %arg8[%add3A_102, %dma_start3A] : memref<40x128xi32, #tpu.memory_space<vmem>> -> memref<1x128xi32, #tpu.memory_space<vmem>>
      %dma_start3A_104 = tpu.memref_squeeze %dma_start3A_103 : memref<1x128xi32, #tpu.memory_space<vmem>> -> memref<128xi32, #tpu.memory_space<vmem>>
      %dma_start3A_105 = arith.constant 0 : i32
      %dma_start3A_106 = arith.constant 0 : i32
      %dma_start3A_107 = tpu.memref_slice %arg2[%dma_start3A_105, %dma_start3A_106] : memref<30720x128xf32, #tpu.memory_space<hbm>> -> memref<30720x128xf32, #tpu.memory_space<hbm>>
      tpu.enqueue_indirect_dma source(%dma_start3A_107 : memref<30720x128xf32, #tpu.memory_space<hbm>>) target(%arg10 : memref<128x128xf32, #tpu.memory_space<vmem>>) offsets(%dma_start3A_104 : memref<128xi32, #tpu.memory_space<vmem>>) semaphore(%arg12 : memref<!tpu.dma_semaphore, #tpu.memory_space<semaphore_mem>>)
      %add3A_108 = arith.constant 1 : i32
      %add3A_109 = arith.addi %add3A_102, %add3A_108 : i32
      %dma_start3A_110 = arith.constant 0 : i32
      %dma_start3A_111 = tpu.memref_slice %arg8[%add3A_109, %dma_start3A_110] : memref<40x128xi32, #tpu.memory_space<vmem>> -> memref<1x128xi32, #tpu.memory_space<vmem>>
      %dma_start3A_112 = tpu.memref_squeeze %dma_start3A_111 : memref<1x128xi32, #tpu.memory_space<vmem>> -> memref<128xi32, #tpu.memory_space<vmem>>
      %dma_start3A_113 = arith.constant 0 : i32
      %dma_start3A_114 = arith.constant 0 : i32
      %dma_start3A_115 = tpu.memref_slice %arg2[%dma_start3A_113, %dma_start3A_114] : memref<30720x128xf32, #tpu.memory_space<hbm>> -> memref<30720x128xf32, #tpu.memory_space<hbm>>
      tpu.enqueue_indirect_dma source(%dma_start3A_115 : memref<30720x128xf32, #tpu.memory_space<hbm>>) target(%arg11 : memref<128x128xf32, #tpu.memory_space<vmem>>) offsets(%dma_start3A_112 : memref<128xi32, #tpu.memory_space<vmem>>) semaphore(%arg13 : memref<!tpu.dma_semaphore, #tpu.memory_space<semaphore_mem>>)
      %dma_wait3A = arith.constant 0 : i32
      %dma_wait3A_116 = tpu.memref_slice %arg8[%add3A_102, %dma_wait3A] : memref<40x128xi32, #tpu.memory_space<vmem>> -> memref<1x128xi32, #tpu.memory_space<vmem>>
      %dma_wait3A_117 = tpu.memref_squeeze %dma_wait3A_116 : memref<1x128xi32, #tpu.memory_space<vmem>> -> memref<128xi32, #tpu.memory_space<vmem>>
      %dma_wait3A_118 = arith.constant 0 : i32
      %dma_wait3A_119 = arith.constant 0 : i32
      %dma_wait3A_120 = tpu.memref_slice %arg2[%dma_wait3A_118, %dma_wait3A_119] : memref<30720x128xf32, #tpu.memory_space<hbm>> -> memref<30720x128xf32, #tpu.memory_space<hbm>>
      tpu.wait_indirect_dma semaphore(%arg12 : memref<!tpu.dma_semaphore, #tpu.memory_space<semaphore_mem>>) src(%dma_wait3A_120 : memref<30720x128xf32, #tpu.memory_space<hbm>>) dst(%arg10 : memref<128x128xf32, #tpu.memory_space<vmem>>)
      "tpu.region"() ({
        %run_scoped3A = tpu.sem_alloc : memref<!tpu.dma_semaphore, #tpu.memory_space<semaphore_mem>>
        %dma_start3A_129 = arith.constant 0 : i32
        %dma_start3A_130 = tpu.memref_slice %arg9[%add3A_102, %dma_start3A_129] : memref<40x128xi32, #tpu.memory_space<vmem>> -> memref<1x128xi32, #tpu.memory_space<vmem>>
        %dma_start3A_131 = tpu.memref_squeeze %dma_start3A_130 : memref<1x128xi32, #tpu.memory_space<vmem>> -> memref<128xi32, #tpu.memory_space<vmem>>
        %dma_start3A_132 = arith.constant 0 : i32
        %dma_start3A_133 = arith.constant 0 : i32
        %dma_start3A_134 = tpu.memref_slice %arg7[%dma_start3A_132, %dma_start3A_133] : memref<7688x128xf32, #tpu.memory_space<vmem_shared>> -> memref<7688x128xf32, #tpu.memory_space<vmem_shared>>
        tpu.enqueue_indirect_dma source(%arg10 : memref<128x128xf32, #tpu.memory_space<vmem>>) target(%dma_start3A_134 : memref<7688x128xf32, #tpu.memory_space<vmem_shared>>) offsets(%dma_start3A_131 : memref<128xi32, #tpu.memory_space<vmem>>) semaphore(%run_scoped3A : memref<!tpu.dma_semaphore, #tpu.memory_space<semaphore_mem>>) {add = true}
        %dma_wait3A_135 = arith.constant 0 : i32
        %dma_wait3A_136 = tpu.memref_slice %arg9[%add3A_102, %dma_wait3A_135] : memref<40x128xi32, #tpu.memory_space<vmem>> -> memref<1x128xi32, #tpu.memory_space<vmem>>
        %dma_wait3A_137 = tpu.memref_squeeze %dma_wait3A_136 : memref<1x128xi32, #tpu.memory_space<vmem>> -> memref<128xi32, #tpu.memory_space<vmem>>
        %dma_wait3A_138 = arith.constant 0 : i32
        %dma_wait3A_139 = arith.constant 0 : i32
        %dma_wait3A_140 = tpu.memref_slice %arg7[%dma_wait3A_138, %dma_wait3A_139] : memref<7688x128xf32, #tpu.memory_space<vmem_shared>> -> memref<7688x128xf32, #tpu.memory_space<vmem_shared>>
        tpu.wait_indirect_dma semaphore(%run_scoped3A : memref<!tpu.dma_semaphore, #tpu.memory_space<semaphore_mem>>) src(%arg10 : memref<128x128xf32, #tpu.memory_space<vmem>>) dst(%dma_wait3A_140 : memref<7688x128xf32, #tpu.memory_space<vmem_shared>>)
        tpu.yield
      }) : () -> ()
      %dma_wait3A_121 = arith.constant 0 : i32
      %dma_wait3A_122 = tpu.memref_slice %arg8[%add3A_109, %dma_wait3A_121] : memref<40x128xi32, #tpu.memory_space<vmem>> -> memref<1x128xi32, #tpu.memory_space<vmem>>
      %dma_wait3A_123 = tpu.memref_squeeze %dma_wait3A_122 : memref<1x128xi32, #tpu.memory_space<vmem>> -> memref<128xi32, #tpu.memory_space<vmem>>
      %dma_wait3A_124 = arith.constant 0 : i32
      %dma_wait3A_125 = arith.constant 0 : i32
      %dma_wait3A_126 = tpu.memref_slice %arg2[%dma_wait3A_124, %dma_wait3A_125] : memref<30720x128xf32, #tpu.memory_space<hbm>> -> memref<30720x128xf32, #tpu.memory_space<hbm>>
      tpu.wait_indirect_dma semaphore(%arg13 : memref<!tpu.dma_semaphore, #tpu.memory_space<semaphore_mem>>) src(%dma_wait3A_126 : memref<30720x128xf32, #tpu.memory_space<hbm>>) dst(%arg11 : memref<128x128xf32, #tpu.memory_space<vmem>>)
      %add3A_127 = arith.constant 1 : i32
      %add3A_128 = arith.addi %add3A_102, %add3A_127 : i32
      "tpu.region"() ({
        %run_scoped3A = tpu.sem_alloc : memref<!tpu.dma_semaphore, #tpu.memory_space<semaphore_mem>>
        %dma_start3A_129 = arith.constant 0 : i32
        %dma_start3A_130 = tpu.memref_slice %arg9[%add3A_128, %dma_start3A_129] : memref<40x128xi32, #tpu.memory_space<vmem>> -> memref<1x128xi32, #tpu.memory_space<vmem>>
        %dma_start3A_131 = tpu.memref_squeeze %dma_start3A_130 : memref<1x128xi32, #tpu.memory_space<vmem>> -> memref<128xi32, #tpu.memory_space<vmem>>
        %dma_start3A_132 = arith.constant 0 : i32
        %dma_start3A_133 = arith.constant 0 : i32
        %dma_start3A_134 = tpu.memref_slice %arg7[%dma_start3A_132, %dma_start3A_133] : memref<7688x128xf32, #tpu.memory_space<vmem_shared>> -> memref<7688x128xf32, #tpu.memory_space<vmem_shared>>
        tpu.enqueue_indirect_dma source(%arg11 : memref<128x128xf32, #tpu.memory_space<vmem>>) target(%dma_start3A_134 : memref<7688x128xf32, #tpu.memory_space<vmem_shared>>) offsets(%dma_start3A_131 : memref<128xi32, #tpu.memory_space<vmem>>) semaphore(%run_scoped3A : memref<!tpu.dma_semaphore, #tpu.memory_space<semaphore_mem>>) {add = true}
        %dma_wait3A_135 = arith.constant 0 : i32
        %dma_wait3A_136 = tpu.memref_slice %arg9[%add3A_128, %dma_wait3A_135] : memref<40x128xi32, #tpu.memory_space<vmem>> -> memref<1x128xi32, #tpu.memory_space<vmem>>
        %dma_wait3A_137 = tpu.memref_squeeze %dma_wait3A_136 : memref<1x128xi32, #tpu.memory_space<vmem>> -> memref<128xi32, #tpu.memory_space<vmem>>
        %dma_wait3A_138 = arith.constant 0 : i32
        %dma_wait3A_139 = arith.constant 0 : i32
        %dma_wait3A_140 = tpu.memref_slice %arg7[%dma_wait3A_138, %dma_wait3A_139] : memref<7688x128xf32, #tpu.memory_space<vmem_shared>> -> memref<7688x128xf32, #tpu.memory_space<vmem_shared>>
        tpu.wait_indirect_dma semaphore(%run_scoped3A : memref<!tpu.dma_semaphore, #tpu.memory_space<semaphore_mem>>) src(%arg11 : memref<128x128xf32, #tpu.memory_space<vmem>>) dst(%dma_wait3A_140 : memref<7688x128xf32, #tpu.memory_space<vmem_shared>>)
        tpu.yield
      }) : () -> ()
    }
    %scan3A_20 = arith.constant 20 : i32
    %mul3A_21 = arith.constant 160 : i32
    %mul3A_22 = arith.muli %arg1, %mul3A_21 : i32
    %add3A_23 = arith.constant 80 : i32
    %add3A_24 = arith.addi %mul3A_22, %add3A_23 : i32
    "tpu.region"() ({
      %run_scoped3A = tpu.sem_alloc : memref<!tpu.dma_semaphore, #tpu.memory_space<semaphore_mem>>
      %dma_start3A = arith.constant 0 : i32
      %dma_start3A_98 = tpu.memref_slice %arg3[%add3A_24, %dma_start3A] : memref<2560x128xi32, #tpu.memory_space<hbm>> -> memref<40x128xi32, #tpu.memory_space<hbm>>
      %dma_start3A_99 = arith.constant 0 : i32
      %dma_start3A_100 = tpu.memref_slice %arg3[%add3A_24, %dma_start3A_99] : memref<2560x128xi32, #tpu.memory_space<hbm>> -> memref<40x128xi32, #tpu.memory_space<hbm>>
      tpu.enqueue_dma source(%dma_start3A_100 : memref<40x128xi32, #tpu.memory_space<hbm>>) target(%arg8 : memref<40x128xi32, #tpu.memory_space<vmem>>) target_semaphore(%run_scoped3A : memref<!tpu.dma_semaphore, #tpu.memory_space<semaphore_mem>>)
      %dma_wait3A = arith.constant 0 : i32
      %dma_wait3A_101 = tpu.memref_slice %arg3[%add3A_24, %dma_wait3A] : memref<2560x128xi32, #tpu.memory_space<hbm>> -> memref<40x128xi32, #tpu.memory_space<hbm>>
      %dma_wait3A_102 = arith.constant 0 : i32
      %dma_wait3A_103 = tpu.memref_slice %arg3[%add3A_24, %dma_wait3A_102] : memref<2560x128xi32, #tpu.memory_space<hbm>> -> memref<40x128xi32, #tpu.memory_space<hbm>>
      tpu.wait_dma2 semaphore(%run_scoped3A : memref<!tpu.dma_semaphore, #tpu.memory_space<semaphore_mem>>) src(%dma_wait3A_103 : memref<40x128xi32, #tpu.memory_space<hbm>>) dst(%arg8 : memref<40x128xi32, #tpu.memory_space<vmem>>)
      tpu.yield
    }) : () -> ()
    "tpu.region"() ({
      %run_scoped3A = tpu.sem_alloc : memref<!tpu.dma_semaphore, #tpu.memory_space<semaphore_mem>>
      %dma_start3A = arith.constant 0 : i32
      %dma_start3A_98 = arith.constant 0 : i32
      %dma_start3A_99 = tpu.memref_slice %arg4[%add3A_1, %dma_start3A, %dma_start3A_98] : memref<4x2560x128xi32, #tpu.memory_space<hbm>> -> memref<1x2560x128xi32, #tpu.memory_space<hbm>>
      %dma_start3A_100 = tpu.memref_squeeze %dma_start3A_99 : memref<1x2560x128xi32, #tpu.memory_space<hbm>> -> memref<2560x128xi32, #tpu.memory_space<hbm>>
      %dma_start3A_101 = arith.constant 0 : i32
      %dma_start3A_102 = tpu.memref_slice %dma_start3A_100[%add3A_24, %dma_start3A_101] : memref<2560x128xi32, #tpu.memory_space<hbm>> -> memref<40x128xi32, #tpu.memory_space<hbm>>
      %dma_start3A_103 = arith.constant 0 : i32
      %dma_start3A_104 = arith.constant 0 : i32
      %dma_start3A_105 = tpu.memref_slice %arg4[%add3A_1, %dma_start3A_103, %dma_start3A_104] : memref<4x2560x128xi32, #tpu.memory_space<hbm>> -> memref<1x2560x128xi32, #tpu.memory_space<hbm>>
      %dma_start3A_106 = tpu.memref_squeeze %dma_start3A_105 : memref<1x2560x128xi32, #tpu.memory_space<hbm>> -> memref<2560x128xi32, #tpu.memory_space<hbm>>
      %dma_start3A_107 = arith.constant 0 : i32
      %dma_start3A_108 = tpu.memref_slice %dma_start3A_106[%add3A_24, %dma_start3A_107] : memref<2560x128xi32, #tpu.memory_space<hbm>> -> memref<40x128xi32, #tpu.memory_space<hbm>>
      tpu.enqueue_dma source(%dma_start3A_108 : memref<40x128xi32, #tpu.memory_space<hbm>>) target(%arg9 : memref<40x128xi32, #tpu.memory_space<vmem>>) target_semaphore(%run_scoped3A : memref<!tpu.dma_semaphore, #tpu.memory_space<semaphore_mem>>)
      %dma_wait3A = arith.constant 0 : i32
      %dma_wait3A_109 = arith.constant 0 : i32
      %dma_wait3A_110 = tpu.memref_slice %arg4[%add3A_1, %dma_wait3A, %dma_wait3A_109] : memref<4x2560x128xi32, #tpu.memory_space<hbm>> -> memref<1x2560x128xi32, #tpu.memory_space<hbm>>
      %dma_wait3A_111 = tpu.memref_squeeze %dma_wait3A_110 : memref<1x2560x128xi32, #tpu.memory_space<hbm>> -> memref<2560x128xi32, #tpu.memory_space<hbm>>
      %dma_wait3A_112 = arith.constant 0 : i32
      %dma_wait3A_113 = tpu.memref_slice %dma_wait3A_111[%add3A_24, %dma_wait3A_112] : memref<2560x128xi32, #tpu.memory_space<hbm>> -> memref<40x128xi32, #tpu.memory_space<hbm>>
      %dma_wait3A_114 = arith.constant 0 : i32
      %dma_wait3A_115 = arith.constant 0 : i32
      %dma_wait3A_116 = tpu.memref_slice %arg4[%add3A_1, %dma_wait3A_114, %dma_wait3A_115] : memref<4x2560x128xi32, #tpu.memory_space<hbm>> -> memref<1x2560x128xi32, #tpu.memory_space<hbm>>
      %dma_wait3A_117 = tpu.memref_squeeze %dma_wait3A_116 : memref<1x2560x128xi32, #tpu.memory_space<hbm>> -> memref<2560x128xi32, #tpu.memory_space<hbm>>
      %dma_wait3A_118 = arith.constant 0 : i32
      %dma_wait3A_119 = tpu.memref_slice %dma_wait3A_117[%add3A_24, %dma_wait3A_118] : memref<2560x128xi32, #tpu.memory_space<hbm>> -> memref<40x128xi32, #tpu.memory_space<hbm>>
      tpu.wait_dma2 semaphore(%run_scoped3A : memref<!tpu.dma_semaphore, #tpu.memory_space<semaphore_mem>>) src(%dma_wait3A_119 : memref<40x128xi32, #tpu.memory_space<hbm>>) dst(%arg9 : memref<40x128xi32, #tpu.memory_space<vmem>>)
      tpu.yield
    }) : () -> ()
    %scan3A_25 = arith.constant 0 : i32
    %scan3A_26 = arith.constant 20 : i32
    %scan3A_27 = arith.addi %scan3A_25, %scan3A_26 : i32
    %scan3A_28 = arith.constant 1 : i32
    scf.for %scan3A_98 = %scan3A_25 to %scan3A_27 step %scan3A_28  : i32 {
      %mul3A_99 = arith.constant 2 : i32
      %mul3A_100 = arith.muli %scan3A_98, %mul3A_99 : i32
      %add3A_101 = arith.constant 0 : i32
      %add3A_102 = arith.addi %add3A_101, %mul3A_100 : i32
      %dma_start3A = arith.constant 0 : i32
      %dma_start3A_103 = tpu.memref_slice %arg8[%add3A_102, %dma_start3A] : memref<40x128xi32, #tpu.memory_space<vmem>> -> memref<1x128xi32, #tpu.memory_space<vmem>>
      %dma_start3A_104 = tpu.memref_squeeze %dma_start3A_103 : memref<1x128xi32, #tpu.memory_space<vmem>> -> memref<128xi32, #tpu.memory_space<vmem>>
      %dma_start3A_105 = arith.constant 0 : i32
      %dma_start3A_106 = arith.constant 0 : i32
      %dma_start3A_107 = tpu.memref_slice %arg2[%dma_start3A_105, %dma_start3A_106] : memref<30720x128xf32, #tpu.memory_space<hbm>> -> memref<30720x128xf32, #tpu.memory_space<hbm>>
      tpu.enqueue_indirect_dma source(%dma_start3A_107 : memref<30720x128xf32, #tpu.memory_space<hbm>>) target(%arg10 : memref<128x128xf32, #tpu.memory_space<vmem>>) offsets(%dma_start3A_104 : memref<128xi32, #tpu.memory_space<vmem>>) semaphore(%arg12 : memref<!tpu.dma_semaphore, #tpu.memory_space<semaphore_mem>>)
      %add3A_108 = arith.constant 1 : i32
      %add3A_109 = arith.addi %add3A_102, %add3A_108 : i32
      %dma_start3A_110 = arith.constant 0 : i32
      %dma_start3A_111 = tpu.memref_slice %arg8[%add3A_109, %dma_start3A_110] : memref<40x128xi32, #tpu.memory_space<vmem>> -> memref<1x128xi32, #tpu.memory_space<vmem>>
      %dma_start3A_112 = tpu.memref_squeeze %dma_start3A_111 : memref<1x128xi32, #tpu.memory_space<vmem>> -> memref<128xi32, #tpu.memory_space<vmem>>
      %dma_start3A_113 = arith.constant 0 : i32
      %dma_start3A_114 = arith.constant 0 : i32
      %dma_start3A_115 = tpu.memref_slice %arg2[%dma_start3A_113, %dma_start3A_114] : memref<30720x128xf32, #tpu.memory_space<hbm>> -> memref<30720x128xf32, #tpu.memory_space<hbm>>
      tpu.enqueue_indirect_dma source(%dma_start3A_115 : memref<30720x128xf32, #tpu.memory_space<hbm>>) target(%arg11 : memref<128x128xf32, #tpu.memory_space<vmem>>) offsets(%dma_start3A_112 : memref<128xi32, #tpu.memory_space<vmem>>) semaphore(%arg13 : memref<!tpu.dma_semaphore, #tpu.memory_space<semaphore_mem>>)
      %dma_wait3A = arith.constant 0 : i32
      %dma_wait3A_116 = tpu.memref_slice %arg8[%add3A_102, %dma_wait3A] : memref<40x128xi32, #tpu.memory_space<vmem>> -> memref<1x128xi32, #tpu.memory_space<vmem>>
      %dma_wait3A_117 = tpu.memref_squeeze %dma_wait3A_116 : memref<1x128xi32, #tpu.memory_space<vmem>> -> memref<128xi32, #tpu.memory_space<vmem>>
      %dma_wait3A_118 = arith.constant 0 : i32
      %dma_wait3A_119 = arith.constant 0 : i32
      %dma_wait3A_120 = tpu.memref_slice %arg2[%dma_wait3A_118, %dma_wait3A_119] : memref<30720x128xf32, #tpu.memory_space<hbm>> -> memref<30720x128xf32, #tpu.memory_space<hbm>>
      tpu.wait_indirect_dma semaphore(%arg12 : memref<!tpu.dma_semaphore, #tpu.memory_space<semaphore_mem>>) src(%dma_wait3A_120 : memref<30720x128xf32, #tpu.memory_space<hbm>>) dst(%arg10 : memref<128x128xf32, #tpu.memory_space<vmem>>)
      "tpu.region"() ({
        %run_scoped3A = tpu.sem_alloc : memref<!tpu.dma_semaphore, #tpu.memory_space<semaphore_mem>>
        %dma_start3A_129 = arith.constant 0 : i32
        %dma_start3A_130 = tpu.memref_slice %arg9[%add3A_102, %dma_start3A_129] : memref<40x128xi32, #tpu.memory_space<vmem>> -> memref<1x128xi32, #tpu.memory_space<vmem>>
        %dma_start3A_131 = tpu.memref_squeeze %dma_start3A_130 : memref<1x128xi32, #tpu.memory_space<vmem>> -> memref<128xi32, #tpu.memory_space<vmem>>
        %dma_start3A_132 = arith.constant 0 : i32
        %dma_start3A_133 = arith.constant 0 : i32
        %dma_start3A_134 = tpu.memref_slice %arg7[%dma_start3A_132, %dma_start3A_133] : memref<7688x128xf32, #tpu.memory_space<vmem_shared>> -> memref<7688x128xf32, #tpu.memory_space<vmem_shared>>
        tpu.enqueue_indirect_dma source(%arg10 : memref<128x128xf32, #tpu.memory_space<vmem>>) target(%dma_start3A_134 : memref<7688x128xf32, #tpu.memory_space<vmem_shared>>) offsets(%dma_start3A_131 : memref<128xi32, #tpu.memory_space<vmem>>) semaphore(%run_scoped3A : memref<!tpu.dma_semaphore, #tpu.memory_space<semaphore_mem>>) {add = true}
        %dma_wait3A_135 = arith.constant 0 : i32
        %dma_wait3A_136 = tpu.memref_slice %arg9[%add3A_102, %dma_wait3A_135] : memref<40x128xi32, #tpu.memory_space<vmem>> -> memref<1x128xi32, #tpu.memory_space<vmem>>
        %dma_wait3A_137 = tpu.memref_squeeze %dma_wait3A_136 : memref<1x128xi32, #tpu.memory_space<vmem>> -> memref<128xi32, #tpu.memory_space<vmem>>
        %dma_wait3A_138 = arith.constant 0 : i32
        %dma_wait3A_139 = arith.constant 0 : i32
        %dma_wait3A_140 = tpu.memref_slice %arg7[%dma_wait3A_138, %dma_wait3A_139] : memref<7688x128xf32, #tpu.memory_space<vmem_shared>> -> memref<7688x128xf32, #tpu.memory_space<vmem_shared>>
        tpu.wait_indirect_dma semaphore(%run_scoped3A : memref<!tpu.dma_semaphore, #tpu.memory_space<semaphore_mem>>) src(%arg10 : memref<128x128xf32, #tpu.memory_space<vmem>>) dst(%dma_wait3A_140 : memref<7688x128xf32, #tpu.memory_space<vmem_shared>>)
        tpu.yield
      }) : () -> ()
      %dma_wait3A_121 = arith.constant 0 : i32
      %dma_wait3A_122 = tpu.memref_slice %arg8[%add3A_109, %dma_wait3A_121] : memref<40x128xi32, #tpu.memory_space<vmem>> -> memref<1x128xi32, #tpu.memory_space<vmem>>
      %dma_wait3A_123 = tpu.memref_squeeze %dma_wait3A_122 : memref<1x128xi32, #tpu.memory_space<vmem>> -> memref<128xi32, #tpu.memory_space<vmem>>
      %dma_wait3A_124 = arith.constant 0 : i32
      %dma_wait3A_125 = arith.constant 0 : i32
      %dma_wait3A_126 = tpu.memref_slice %arg2[%dma_wait3A_124, %dma_wait3A_125] : memref<30720x128xf32, #tpu.memory_space<hbm>> -> memref<30720x128xf32, #tpu.memory_space<hbm>>
      tpu.wait_indirect_dma semaphore(%arg13 : memref<!tpu.dma_semaphore, #tpu.memory_space<semaphore_mem>>) src(%dma_wait3A_126 : memref<30720x128xf32, #tpu.memory_space<hbm>>) dst(%arg11 : memref<128x128xf32, #tpu.memory_space<vmem>>)
      %add3A_127 = arith.constant 1 : i32
      %add3A_128 = arith.addi %add3A_102, %add3A_127 : i32
      "tpu.region"() ({
        %run_scoped3A = tpu.sem_alloc : memref<!tpu.dma_semaphore, #tpu.memory_space<semaphore_mem>>
        %dma_start3A_129 = arith.constant 0 : i32
        %dma_start3A_130 = tpu.memref_slice %arg9[%add3A_128, %dma_start3A_129] : memref<40x128xi32, #tpu.memory_space<vmem>> -> memref<1x128xi32, #tpu.memory_space<vmem>>
        %dma_start3A_131 = tpu.memref_squeeze %dma_start3A_130 : memref<1x128xi32, #tpu.memory_space<vmem>> -> memref<128xi32, #tpu.memory_space<vmem>>
        %dma_start3A_132 = arith.constant 0 : i32
        %dma_start3A_133 = arith.constant 0 : i32
        %dma_start3A_134 = tpu.memref_slice %arg7[%dma_start3A_132, %dma_start3A_133] : memref<7688x128xf32, #tpu.memory_space<vmem_shared>> -> memref<7688x128xf32, #tpu.memory_space<vmem_shared>>
        tpu.enqueue_indirect_dma source(%arg11 : memref<128x128xf32, #tpu.memory_space<vmem>>) target(%dma_start3A_134 : memref<7688x128xf32, #tpu.memory_space<vmem_shared>>) offsets(%dma_start3A_131 : memref<128xi32, #tpu.memory_space<vmem>>) semaphore(%run_scoped3A : memref<!tpu.dma_semaphore, #tpu.memory_space<semaphore_mem>>) {add = true}
        %dma_wait3A_135 = arith.constant 0 : i32
        %dma_wait3A_136 = tpu.memref_slice %arg9[%add3A_128, %dma_wait3A_135] : memref<40x128xi32, #tpu.memory_space<vmem>> -> memref<1x128xi32, #tpu.memory_space<vmem>>
        %dma_wait3A_137 = tpu.memref_squeeze %dma_wait3A_136 : memref<1x128xi32, #tpu.memory_space<vmem>> -> memref<128xi32, #tpu.memory_space<vmem>>
        %dma_wait3A_138 = arith.constant 0 : i32
        %dma_wait3A_139 = arith.constant 0 : i32
        %dma_wait3A_140 = tpu.memref_slice %arg7[%dma_wait3A_138, %dma_wait3A_139] : memref<7688x128xf32, #tpu.memory_space<vmem_shared>> -> memref<7688x128xf32, #tpu.memory_space<vmem_shared>>
        tpu.wait_indirect_dma semaphore(%run_scoped3A : memref<!tpu.dma_semaphore, #tpu.memory_space<semaphore_mem>>) src(%arg11 : memref<128x128xf32, #tpu.memory_space<vmem>>) dst(%dma_wait3A_140 : memref<7688x128xf32, #tpu.memory_space<vmem_shared>>)
        tpu.yield
      }) : () -> ()
    }
    %scan3A_29 = arith.constant 20 : i32
    %mul3A_30 = arith.constant 160 : i32
    %mul3A_31 = arith.muli %arg1, %mul3A_30 : i32
    %add3A_32 = arith.constant 120 : i32
    %add3A_33 = arith.addi %mul3A_31, %add3A_32 : i32
    "tpu.region"() ({
      %run_scoped3A = tpu.sem_alloc : memref<!tpu.dma_semaphore, #tpu.memory_space<semaphore_mem>>
      %dma_start3A = arith.constant 0 : i32
      %dma_start3A_98 = tpu.memref_slice %arg3[%add3A_33, %dma_start3A] : memref<2560x128xi32, #tpu.memory_space<hbm>> -> memref<40x128xi32, #tpu.memory_space<hbm>>
      %dma_start3A_99 = arith.constant 0 : i32
      %dma_start3A_100 = tpu.memref_slice %arg3[%add3A_33, %dma_start3A_99] : memref<2560x128xi32, #tpu.memory_space<hbm>> -> memref<40x128xi32, #tpu.memory_space<hbm>>
      tpu.enqueue_dma source(%dma_start3A_100 : memref<40x128xi32, #tpu.memory_space<hbm>>) target(%arg8 : memref<40x128xi32, #tpu.memory_space<vmem>>) target_semaphore(%run_scoped3A : memref<!tpu.dma_semaphore, #tpu.memory_space<semaphore_mem>>)
      %dma_wait3A = arith.constant 0 : i32
      %dma_wait3A_101 = tpu.memref_slice %arg3[%add3A_33, %dma_wait3A] : memref<2560x128xi32, #tpu.memory_space<hbm>> -> memref<40x128xi32, #tpu.memory_space<hbm>>
      %dma_wait3A_102 = arith.constant 0 : i32
      %dma_wait3A_103 = tpu.memref_slice %arg3[%add3A_33, %dma_wait3A_102] : memref<2560x128xi32, #tpu.memory_space<hbm>> -> memref<40x128xi32, #tpu.memory_space<hbm>>
      tpu.wait_dma2 semaphore(%run_scoped3A : memref<!tpu.dma_semaphore, #tpu.memory_space<semaphore_mem>>) src(%dma_wait3A_103 : memref<40x128xi32, #tpu.memory_space<hbm>>) dst(%arg8 : memref<40x128xi32, #tpu.memory_space<vmem>>)
      tpu.yield
    }) : () -> ()
    "tpu.region"() ({
      %run_scoped3A = tpu.sem_alloc : memref<!tpu.dma_semaphore, #tpu.memory_space<semaphore_mem>>
      %dma_start3A = arith.constant 0 : i32
      %dma_start3A_98 = arith.constant 0 : i32
      %dma_start3A_99 = tpu.memref_slice %arg4[%add3A_1, %dma_start3A, %dma_start3A_98] : memref<4x2560x128xi32, #tpu.memory_space<hbm>> -> memref<1x2560x128xi32, #tpu.memory_space<hbm>>
      %dma_start3A_100 = tpu.memref_squeeze %dma_start3A_99 : memref<1x2560x128xi32, #tpu.memory_space<hbm>> -> memref<2560x128xi32, #tpu.memory_space<hbm>>
      %dma_start3A_101 = arith.constant 0 : i32
      %dma_start3A_102 = tpu.memref_slice %dma_start3A_100[%add3A_33, %dma_start3A_101] : memref<2560x128xi32, #tpu.memory_space<hbm>> -> memref<40x128xi32, #tpu.memory_space<hbm>>
      %dma_start3A_103 = arith.constant 0 : i32
      %dma_start3A_104 = arith.constant 0 : i32
      %dma_start3A_105 = tpu.memref_slice %arg4[%add3A_1, %dma_start3A_103, %dma_start3A_104] : memref<4x2560x128xi32, #tpu.memory_space<hbm>> -> memref<1x2560x128xi32, #tpu.memory_space<hbm>>
      %dma_start3A_106 = tpu.memref_squeeze %dma_start3A_105 : memref<1x2560x128xi32, #tpu.memory_space<hbm>> -> memref<2560x128xi32, #tpu.memory_space<hbm>>
      %dma_start3A_107 = arith.constant 0 : i32
      %dma_start3A_108 = tpu.memref_slice %dma_start3A_106[%add3A_33, %dma_start3A_107] : memref<2560x128xi32, #tpu.memory_space<hbm>> -> memref<40x128xi32, #tpu.memory_space<hbm>>
      tpu.enqueue_dma source(%dma_start3A_108 : memref<40x128xi32, #tpu.memory_space<hbm>>) target(%arg9 : memref<40x128xi32, #tpu.memory_space<vmem>>) target_semaphore(%run_scoped3A : memref<!tpu.dma_semaphore, #tpu.memory_space<semaphore_mem>>)
      %dma_wait3A = arith.constant 0 : i32
      %dma_wait3A_109 = arith.constant 0 : i32
      %dma_wait3A_110 = tpu.memref_slice %arg4[%add3A_1, %dma_wait3A, %dma_wait3A_109] : memref<4x2560x128xi32, #tpu.memory_space<hbm>> -> memref<1x2560x128xi32, #tpu.memory_space<hbm>>
      %dma_wait3A_111 = tpu.memref_squeeze %dma_wait3A_110 : memref<1x2560x128xi32, #tpu.memory_space<hbm>> -> memref<2560x128xi32, #tpu.memory_space<hbm>>
      %dma_wait3A_112 = arith.constant 0 : i32
      %dma_wait3A_113 = tpu.memref_slice %dma_wait3A_111[%add3A_33, %dma_wait3A_112] : memref<2560x128xi32, #tpu.memory_space<hbm>> -> memref<40x128xi32, #tpu.memory_space<hbm>>
      %dma_wait3A_114 = arith.constant 0 : i32
      %dma_wait3A_115 = arith.constant 0 : i32
      %dma_wait3A_116 = tpu.memref_slice %arg4[%add3A_1, %dma_wait3A_114, %dma_wait3A_115] : memref<4x2560x128xi32, #tpu.memory_space<hbm>> -> memref<1x2560x128xi32, #tpu.memory_space<hbm>>
      %dma_wait3A_117 = tpu.memref_squeeze %dma_wait3A_116 : memref<1x2560x128xi32, #tpu.memory_space<hbm>> -> memref<2560x128xi32, #tpu.memory_space<hbm>>
      %dma_wait3A_118 = arith.constant 0 : i32
      %dma_wait3A_119 = tpu.memref_slice %dma_wait3A_117[%add3A_33, %dma_wait3A_118] : memref<2560x128xi32, #tpu.memory_space<hbm>> -> memref<40x128xi32, #tpu.memory_space<hbm>>
      tpu.wait_dma2 semaphore(%run_scoped3A : memref<!tpu.dma_semaphore, #tpu.memory_space<semaphore_mem>>) src(%dma_wait3A_119 : memref<40x128xi32, #tpu.memory_space<hbm>>) dst(%arg9 : memref<40x128xi32, #tpu.memory_space<vmem>>)
      tpu.yield
    }) : () -> ()
    %scan3A_34 = arith.constant 0 : i32
    %scan3A_35 = arith.constant 20 : i32
    %scan3A_36 = arith.addi %scan3A_34, %scan3A_35 : i32
    %scan3A_37 = arith.constant 1 : i32
    scf.for %scan3A_98 = %scan3A_34 to %scan3A_36 step %scan3A_37  : i32 {
      %mul3A_99 = arith.constant 2 : i32
      %mul3A_100 = arith.muli %scan3A_98, %mul3A_99 : i32
      %add3A_101 = arith.constant 0 : i32
      %add3A_102 = arith.addi %add3A_101, %mul3A_100 : i32
      %dma_start3A = arith.constant 0 : i32
      %dma_start3A_103 = tpu.memref_slice %arg8[%add3A_102, %dma_start3A] : memref<40x128xi32, #tpu.memory_space<vmem>> -> memref<1x128xi32, #tpu.memory_space<vmem>>
      %dma_start3A_104 = tpu.memref_squeeze %dma_start3A_103 : memref<1x128xi32, #tpu.memory_space<vmem>> -> memref<128xi32, #tpu.memory_space<vmem>>
      %dma_start3A_105 = arith.constant 0 : i32
      %dma_start3A_106 = arith.constant 0 : i32
      %dma_start3A_107 = tpu.memref_slice %arg2[%dma_start3A_105, %dma_start3A_106] : memref<30720x128xf32, #tpu.memory_space<hbm>> -> memref<30720x128xf32, #tpu.memory_space<hbm>>
      tpu.enqueue_indirect_dma source(%dma_start3A_107 : memref<30720x128xf32, #tpu.memory_space<hbm>>) target(%arg10 : memref<128x128xf32, #tpu.memory_space<vmem>>) offsets(%dma_start3A_104 : memref<128xi32, #tpu.memory_space<vmem>>) semaphore(%arg12 : memref<!tpu.dma_semaphore, #tpu.memory_space<semaphore_mem>>)
      %add3A_108 = arith.constant 1 : i32
      %add3A_109 = arith.addi %add3A_102, %add3A_108 : i32
      %dma_start3A_110 = arith.constant 0 : i32
      %dma_start3A_111 = tpu.memref_slice %arg8[%add3A_109, %dma_start3A_110] : memref<40x128xi32, #tpu.memory_space<vmem>> -> memref<1x128xi32, #tpu.memory_space<vmem>>
      %dma_start3A_112 = tpu.memref_squeeze %dma_start3A_111 : memref<1x128xi32, #tpu.memory_space<vmem>> -> memref<128xi32, #tpu.memory_space<vmem>>
      %dma_start3A_113 = arith.constant 0 : i32
      %dma_start3A_114 = arith.constant 0 : i32
      %dma_start3A_115 = tpu.memref_slice %arg2[%dma_start3A_113, %dma_start3A_114] : memref<30720x128xf32, #tpu.memory_space<hbm>> -> memref<30720x128xf32, #tpu.memory_space<hbm>>
      tpu.enqueue_indirect_dma source(%dma_start3A_115 : memref<30720x128xf32, #tpu.memory_space<hbm>>) target(%arg11 : memref<128x128xf32, #tpu.memory_space<vmem>>) offsets(%dma_start3A_112 : memref<128xi32, #tpu.memory_space<vmem>>) semaphore(%arg13 : memref<!tpu.dma_semaphore, #tpu.memory_space<semaphore_mem>>)
      %dma_wait3A = arith.constant 0 : i32
      %dma_wait3A_116 = tpu.memref_slice %arg8[%add3A_102, %dma_wait3A] : memref<40x128xi32, #tpu.memory_space<vmem>> -> memref<1x128xi32, #tpu.memory_space<vmem>>
      %dma_wait3A_117 = tpu.memref_squeeze %dma_wait3A_116 : memref<1x128xi32, #tpu.memory_space<vmem>> -> memref<128xi32, #tpu.memory_space<vmem>>
      %dma_wait3A_118 = arith.constant 0 : i32
      %dma_wait3A_119 = arith.constant 0 : i32
      %dma_wait3A_120 = tpu.memref_slice %arg2[%dma_wait3A_118, %dma_wait3A_119] : memref<30720x128xf32, #tpu.memory_space<hbm>> -> memref<30720x128xf32, #tpu.memory_space<hbm>>
      tpu.wait_indirect_dma semaphore(%arg12 : memref<!tpu.dma_semaphore, #tpu.memory_space<semaphore_mem>>) src(%dma_wait3A_120 : memref<30720x128xf32, #tpu.memory_space<hbm>>) dst(%arg10 : memref<128x128xf32, #tpu.memory_space<vmem>>)
      "tpu.region"() ({
        %run_scoped3A = tpu.sem_alloc : memref<!tpu.dma_semaphore, #tpu.memory_space<semaphore_mem>>
        %dma_start3A_129 = arith.constant 0 : i32
        %dma_start3A_130 = tpu.memref_slice %arg9[%add3A_102, %dma_start3A_129] : memref<40x128xi32, #tpu.memory_space<vmem>> -> memref<1x128xi32, #tpu.memory_space<vmem>>
        %dma_start3A_131 = tpu.memref_squeeze %dma_start3A_130 : memref<1x128xi32, #tpu.memory_space<vmem>> -> memref<128xi32, #tpu.memory_space<vmem>>
        %dma_start3A_132 = arith.constant 0 : i32
        %dma_start3A_133 = arith.constant 0 : i32
        %dma_start3A_134 = tpu.memref_slice %arg7[%dma_start3A_132, %dma_start3A_133] : memref<7688x128xf32, #tpu.memory_space<vmem_shared>> -> memref<7688x128xf32, #tpu.memory_space<vmem_shared>>
        tpu.enqueue_indirect_dma source(%arg10 : memref<128x128xf32, #tpu.memory_space<vmem>>) target(%dma_start3A_134 : memref<7688x128xf32, #tpu.memory_space<vmem_shared>>) offsets(%dma_start3A_131 : memref<128xi32, #tpu.memory_space<vmem>>) semaphore(%run_scoped3A : memref<!tpu.dma_semaphore, #tpu.memory_space<semaphore_mem>>) {add = true}
        %dma_wait3A_135 = arith.constant 0 : i32
        %dma_wait3A_136 = tpu.memref_slice %arg9[%add3A_102, %dma_wait3A_135] : memref<40x128xi32, #tpu.memory_space<vmem>> -> memref<1x128xi32, #tpu.memory_space<vmem>>
        %dma_wait3A_137 = tpu.memref_squeeze %dma_wait3A_136 : memref<1x128xi32, #tpu.memory_space<vmem>> -> memref<128xi32, #tpu.memory_space<vmem>>
        %dma_wait3A_138 = arith.constant 0 : i32
        %dma_wait3A_139 = arith.constant 0 : i32
        %dma_wait3A_140 = tpu.memref_slice %arg7[%dma_wait3A_138, %dma_wait3A_139] : memref<7688x128xf32, #tpu.memory_space<vmem_shared>> -> memref<7688x128xf32, #tpu.memory_space<vmem_shared>>
        tpu.wait_indirect_dma semaphore(%run_scoped3A : memref<!tpu.dma_semaphore, #tpu.memory_space<semaphore_mem>>) src(%arg10 : memref<128x128xf32, #tpu.memory_space<vmem>>) dst(%dma_wait3A_140 : memref<7688x128xf32, #tpu.memory_space<vmem_shared>>)
        tpu.yield
      }) : () -> ()
      %dma_wait3A_121 = arith.constant 0 : i32
      %dma_wait3A_122 = tpu.memref_slice %arg8[%add3A_109, %dma_wait3A_121] : memref<40x128xi32, #tpu.memory_space<vmem>> -> memref<1x128xi32, #tpu.memory_space<vmem>>
      %dma_wait3A_123 = tpu.memref_squeeze %dma_wait3A_122 : memref<1x128xi32, #tpu.memory_space<vmem>> -> memref<128xi32, #tpu.memory_space<vmem>>
      %dma_wait3A_124 = arith.constant 0 : i32
      %dma_wait3A_125 = arith.constant 0 : i32
      %dma_wait3A_126 = tpu.memref_slice %arg2[%dma_wait3A_124, %dma_wait3A_125] : memref<30720x128xf32, #tpu.memory_space<hbm>> -> memref<30720x128xf32, #tpu.memory_space<hbm>>
      tpu.wait_indirect_dma semaphore(%arg13 : memref<!tpu.dma_semaphore, #tpu.memory_space<semaphore_mem>>) src(%dma_wait3A_126 : memref<30720x128xf32, #tpu.memory_space<hbm>>) dst(%arg11 : memref<128x128xf32, #tpu.memory_space<vmem>>)
      %add3A_127 = arith.constant 1 : i32
      %add3A_128 = arith.addi %add3A_102, %add3A_127 : i32
      "tpu.region"() ({
        %run_scoped3A = tpu.sem_alloc : memref<!tpu.dma_semaphore, #tpu.memory_space<semaphore_mem>>
        %dma_start3A_129 = arith.constant 0 : i32
        %dma_start3A_130 = tpu.memref_slice %arg9[%add3A_128, %dma_start3A_129] : memref<40x128xi32, #tpu.memory_space<vmem>> -> memref<1x128xi32, #tpu.memory_space<vmem>>
        %dma_start3A_131 = tpu.memref_squeeze %dma_start3A_130 : memref<1x128xi32, #tpu.memory_space<vmem>> -> memref<128xi32, #tpu.memory_space<vmem>>
        %dma_start3A_132 = arith.constant 0 : i32
        %dma_start3A_133 = arith.constant 0 : i32
        %dma_start3A_134 = tpu.memref_slice %arg7[%dma_start3A_132, %dma_start3A_133] : memref<7688x128xf32, #tpu.memory_space<vmem_shared>> -> memref<7688x128xf32, #tpu.memory_space<vmem_shared>>
        tpu.enqueue_indirect_dma source(%arg11 : memref<128x128xf32, #tpu.memory_space<vmem>>) target(%dma_start3A_134 : memref<7688x128xf32, #tpu.memory_space<vmem_shared>>) offsets(%dma_start3A_131 : memref<128xi32, #tpu.memory_space<vmem>>) semaphore(%run_scoped3A : memref<!tpu.dma_semaphore, #tpu.memory_space<semaphore_mem>>) {add = true}
        %dma_wait3A_135 = arith.constant 0 : i32
        %dma_wait3A_136 = tpu.memref_slice %arg9[%add3A_128, %dma_wait3A_135] : memref<40x128xi32, #tpu.memory_space<vmem>> -> memref<1x128xi32, #tpu.memory_space<vmem>>
        %dma_wait3A_137 = tpu.memref_squeeze %dma_wait3A_136 : memref<1x128xi32, #tpu.memory_space<vmem>> -> memref<128xi32, #tpu.memory_space<vmem>>
        %dma_wait3A_138 = arith.constant 0 : i32
        %dma_wait3A_139 = arith.constant 0 : i32
        %dma_wait3A_140 = tpu.memref_slice %arg7[%dma_wait3A_138, %dma_wait3A_139] : memref<7688x128xf32, #tpu.memory_space<vmem_shared>> -> memref<7688x128xf32, #tpu.memory_space<vmem_shared>>
        tpu.wait_indirect_dma semaphore(%run_scoped3A : memref<!tpu.dma_semaphore, #tpu.memory_space<semaphore_mem>>) src(%arg11 : memref<128x128xf32, #tpu.memory_space<vmem>>) dst(%dma_wait3A_140 : memref<7688x128xf32, #tpu.memory_space<vmem_shared>>)
        tpu.yield
      }) : () -> ()
    }
    %scan3A_38 = arith.constant 20 : i32
    %barrier3A_39 = arith.constant 0 : index
    tpu.barrier barrier_id(%barrier3A_39)
    %mul3A_40 = arith.constant 480 : i32
    %mul3A_41 = arith.muli %arg1, %mul3A_40 : i32
    %mul3A_42 = arith.constant 7680 : i32
    %mul3A_43 = arith.muli %add3A_1, %mul3A_42 : i32
    %mul3A_44 = arith.constant 480 : i32
    %mul3A_45 = arith.muli %arg1, %mul3A_44 : i32
    %add3A_46 = arith.addi %mul3A_43, %mul3A_45 : i32
    "tpu.region"() ({
      %run_scoped3A = tpu.sem_alloc : memref<!tpu.dma_semaphore, #tpu.memory_space<semaphore_mem>>
      %dma_start3A = arith.constant 0 : i32
      %dma_start3A_98 = tpu.memref_slice %arg6[%add3A_46, %dma_start3A] : memref<30720x128xf32, #tpu.memory_space<hbm>> -> memref<480x128xf32, #tpu.memory_space<hbm>>
      %dma_start3A_99 = arith.constant 0 : i32
      %dma_start3A_100 = tpu.memref_slice %arg7[%mul3A_41, %dma_start3A_99] : memref<7688x128xf32, #tpu.memory_space<vmem_shared>> -> memref<480x128xf32, #tpu.memory_space<vmem_shared>>
      tpu.enqueue_dma source(%dma_start3A_100 : memref<480x128xf32, #tpu.memory_space<vmem_shared>>) target(%dma_start3A_98 : memref<480x128xf32, #tpu.memory_space<hbm>>) target_semaphore(%run_scoped3A : memref<!tpu.dma_semaphore, #tpu.memory_space<semaphore_mem>>)
      %dma_wait3A = arith.constant 0 : i32
      %dma_wait3A_101 = tpu.memref_slice %arg6[%add3A_46, %dma_wait3A] : memref<30720x128xf32, #tpu.memory_space<hbm>> -> memref<480x128xf32, #tpu.memory_space<hbm>>
      %dma_wait3A_102 = arith.constant 0 : i32
      %dma_wait3A_103 = tpu.memref_slice %arg7[%mul3A_41, %dma_wait3A_102] : memref<7688x128xf32, #tpu.memory_space<vmem_shared>> -> memref<480x128xf32, #tpu.memory_space<vmem_shared>>
      tpu.wait_dma2 semaphore(%run_scoped3A : memref<!tpu.dma_semaphore, #tpu.memory_space<semaphore_mem>>) src(%dma_wait3A_103 : memref<480x128xf32, #tpu.memory_space<vmem_shared>>) dst(%dma_wait3A_101 : memref<480x128xf32, #tpu.memory_space<hbm>>)
      tpu.yield
    }) : () -> ()
    %mul3A_47 = arith.constant 2 : i32
    %mul3A_48 = arith.muli %arg0, %mul3A_47 : i32
    %add3A_49 = arith.constant 1 : i32
    %add3A_50 = arith.addi %mul3A_48, %add3A_49 : i32
    %mul3A_51 = arith.constant 480 : i32
    %mul3A_52 = arith.muli %arg1, %mul3A_51 : i32
    "tpu.region"() ({
      %run_scoped3A = tpu.sem_alloc : memref<!tpu.dma_semaphore, #tpu.memory_space<semaphore_mem>>
      %dma_start3A = arith.constant 0 : i32
      %dma_start3A_98 = tpu.memref_slice %arg7[%mul3A_52, %dma_start3A] : memref<7688x128xf32, #tpu.memory_space<vmem_shared>> -> memref<480x128xf32, #tpu.memory_space<vmem_shared>>
      tpu.enqueue_dma source(%arg5 : memref<480x128xf32, #tpu.memory_space<hbm>>) target(%dma_start3A_98 : memref<480x128xf32, #tpu.memory_space<vmem_shared>>) target_semaphore(%run_scoped3A : memref<!tpu.dma_semaphore, #tpu.memory_space<semaphore_mem>>)
      %dma_wait3A = arith.constant 0 : i32
      %dma_wait3A_99 = tpu.memref_slice %arg7[%mul3A_52, %dma_wait3A] : memref<7688x128xf32, #tpu.memory_space<vmem_shared>> -> memref<480x128xf32, #tpu.memory_space<vmem_shared>>
      tpu.wait_dma2 semaphore(%run_scoped3A : memref<!tpu.dma_semaphore, #tpu.memory_space<semaphore_mem>>) src(%arg5 : memref<480x128xf32, #tpu.memory_space<hbm>>) dst(%dma_wait3A_99 : memref<480x128xf32, #tpu.memory_space<vmem_shared>>)
      tpu.yield
    }) : () -> ()
    %barrier3A_53 = arith.constant 0 : index
    tpu.barrier barrier_id(%barrier3A_53)
    %mul3A_54 = arith.constant 160 : i32
    %mul3A_55 = arith.muli %arg1, %mul3A_54 : i32
    %add3A_56 = arith.constant 0 : i32
    %add3A_57 = arith.addi %mul3A_55, %add3A_56 : i32
    "tpu.region"() ({
      %run_scoped3A = tpu.sem_alloc : memref<!tpu.dma_semaphore, #tpu.memory_space<semaphore_mem>>
      %dma_start3A = arith.constant 0 : i32
      %dma_start3A_98 = tpu.memref_slice %arg3[%add3A_57, %dma_start3A] : memref<2560x128xi32, #tpu.memory_space<hbm>> -> memref<40x128xi32, #tpu.memory_space<hbm>>
      %dma_start3A_99 = arith.constant 0 : i32
      %dma_start3A_100 = tpu.memref_slice %arg3[%add3A_57, %dma_start3A_99] : memref<2560x128xi32, #tpu.memory_space<hbm>> -> memref<40x128xi32, #tpu.memory_space<hbm>>
      tpu.enqueue_dma source(%dma_start3A_100 : memref<40x128xi32, #tpu.memory_space<hbm>>) target(%arg8 : memref<40x128xi32, #tpu.memory_space<vmem>>) target_semaphore(%run_scoped3A : memref<!tpu.dma_semaphore, #tpu.memory_space<semaphore_mem>>)
      %dma_wait3A = arith.constant 0 : i32
      %dma_wait3A_101 = tpu.memref_slice %arg3[%add3A_57, %dma_wait3A] : memref<2560x128xi32, #tpu.memory_space<hbm>> -> memref<40x128xi32, #tpu.memory_space<hbm>>
      %dma_wait3A_102 = arith.constant 0 : i32
      %dma_wait3A_103 = tpu.memref_slice %arg3[%add3A_57, %dma_wait3A_102] : memref<2560x128xi32, #tpu.memory_space<hbm>> -> memref<40x128xi32, #tpu.memory_space<hbm>>
      tpu.wait_dma2 semaphore(%run_scoped3A : memref<!tpu.dma_semaphore, #tpu.memory_space<semaphore_mem>>) src(%dma_wait3A_103 : memref<40x128xi32, #tpu.memory_space<hbm>>) dst(%arg8 : memref<40x128xi32, #tpu.memory_space<vmem>>)
      tpu.yield
    }) : () -> ()
    "tpu.region"() ({
      %run_scoped3A = tpu.sem_alloc : memref<!tpu.dma_semaphore, #tpu.memory_space<semaphore_mem>>
      %dma_start3A = arith.constant 0 : i32
      %dma_start3A_98 = arith.constant 0 : i32
      %dma_start3A_99 = tpu.memref_slice %arg4[%add3A_50, %dma_start3A, %dma_start3A_98] : memref<4x2560x128xi32, #tpu.memory_space<hbm>> -> memref<1x2560x128xi32, #tpu.memory_space<hbm>>
      %dma_start3A_100 = tpu.memref_squeeze %dma_start3A_99 : memref<1x2560x128xi32, #tpu.memory_space<hbm>> -> memref<2560x128xi32, #tpu.memory_space<hbm>>
      %dma_start3A_101 = arith.constant 0 : i32
      %dma_start3A_102 = tpu.memref_slice %dma_start3A_100[%add3A_57, %dma_start3A_101] : memref<2560x128xi32, #tpu.memory_space<hbm>> -> memref<40x128xi32, #tpu.memory_space<hbm>>
      %dma_start3A_103 = arith.constant 0 : i32
      %dma_start3A_104 = arith.constant 0 : i32
      %dma_start3A_105 = tpu.memref_slice %arg4[%add3A_50, %dma_start3A_103, %dma_start3A_104] : memref<4x2560x128xi32, #tpu.memory_space<hbm>> -> memref<1x2560x128xi32, #tpu.memory_space<hbm>>
      %dma_start3A_106 = tpu.memref_squeeze %dma_start3A_105 : memref<1x2560x128xi32, #tpu.memory_space<hbm>> -> memref<2560x128xi32, #tpu.memory_space<hbm>>
      %dma_start3A_107 = arith.constant 0 : i32
      %dma_start3A_108 = tpu.memref_slice %dma_start3A_106[%add3A_57, %dma_start3A_107] : memref<2560x128xi32, #tpu.memory_space<hbm>> -> memref<40x128xi32, #tpu.memory_space<hbm>>
      tpu.enqueue_dma source(%dma_start3A_108 : memref<40x128xi32, #tpu.memory_space<hbm>>) target(%arg9 : memref<40x128xi32, #tpu.memory_space<vmem>>) target_semaphore(%run_scoped3A : memref<!tpu.dma_semaphore, #tpu.memory_space<semaphore_mem>>)
      %dma_wait3A = arith.constant 0 : i32
      %dma_wait3A_109 = arith.constant 0 : i32
      %dma_wait3A_110 = tpu.memref_slice %arg4[%add3A_50, %dma_wait3A, %dma_wait3A_109] : memref<4x2560x128xi32, #tpu.memory_space<hbm>> -> memref<1x2560x128xi32, #tpu.memory_space<hbm>>
      %dma_wait3A_111 = tpu.memref_squeeze %dma_wait3A_110 : memref<1x2560x128xi32, #tpu.memory_space<hbm>> -> memref<2560x128xi32, #tpu.memory_space<hbm>>
      %dma_wait3A_112 = arith.constant 0 : i32
      %dma_wait3A_113 = tpu.memref_slice %dma_wait3A_111[%add3A_57, %dma_wait3A_112] : memref<2560x128xi32, #tpu.memory_space<hbm>> -> memref<40x128xi32, #tpu.memory_space<hbm>>
      %dma_wait3A_114 = arith.constant 0 : i32
      %dma_wait3A_115 = arith.constant 0 : i32
      %dma_wait3A_116 = tpu.memref_slice %arg4[%add3A_50, %dma_wait3A_114, %dma_wait3A_115] : memref<4x2560x128xi32, #tpu.memory_space<hbm>> -> memref<1x2560x128xi32, #tpu.memory_space<hbm>>
      %dma_wait3A_117 = tpu.memref_squeeze %dma_wait3A_116 : memref<1x2560x128xi32, #tpu.memory_space<hbm>> -> memref<2560x128xi32, #tpu.memory_space<hbm>>
      %dma_wait3A_118 = arith.constant 0 : i32
      %dma_wait3A_119 = tpu.memref_slice %dma_wait3A_117[%add3A_57, %dma_wait3A_118] : memref<2560x128xi32, #tpu.memory_space<hbm>> -> memref<40x128xi32, #tpu.memory_space<hbm>>
      tpu.wait_dma2 semaphore(%run_scoped3A : memref<!tpu.dma_semaphore, #tpu.memory_space<semaphore_mem>>) src(%dma_wait3A_119 : memref<40x128xi32, #tpu.memory_space<hbm>>) dst(%arg9 : memref<40x128xi32, #tpu.memory_space<vmem>>)
      tpu.yield
    }) : () -> ()
    %scan3A_58 = arith.constant 0 : i32
    %scan3A_59 = arith.constant 20 : i32
    %scan3A_60 = arith.addi %scan3A_58, %scan3A_59 : i32
    %scan3A_61 = arith.constant 1 : i32
    scf.for %scan3A_98 = %scan3A_58 to %scan3A_60 step %scan3A_61  : i32 {
      %mul3A_99 = arith.constant 2 : i32
      %mul3A_100 = arith.muli %scan3A_98, %mul3A_99 : i32
      %add3A_101 = arith.constant 0 : i32
      %add3A_102 = arith.addi %add3A_101, %mul3A_100 : i32
      %dma_start3A = arith.constant 0 : i32
      %dma_start3A_103 = tpu.memref_slice %arg8[%add3A_102, %dma_start3A] : memref<40x128xi32, #tpu.memory_space<vmem>> -> memref<1x128xi32, #tpu.memory_space<vmem>>
      %dma_start3A_104 = tpu.memref_squeeze %dma_start3A_103 : memref<1x128xi32, #tpu.memory_space<vmem>> -> memref<128xi32, #tpu.memory_space<vmem>>
      %dma_start3A_105 = arith.constant 0 : i32
      %dma_start3A_106 = arith.constant 0 : i32
      %dma_start3A_107 = tpu.memref_slice %arg2[%dma_start3A_105, %dma_start3A_106] : memref<30720x128xf32, #tpu.memory_space<hbm>> -> memref<30720x128xf32, #tpu.memory_space<hbm>>
      tpu.enqueue_indirect_dma source(%dma_start3A_107 : memref<30720x128xf32, #tpu.memory_space<hbm>>) target(%arg10 : memref<128x128xf32, #tpu.memory_space<vmem>>) offsets(%dma_start3A_104 : memref<128xi32, #tpu.memory_space<vmem>>) semaphore(%arg12 : memref<!tpu.dma_semaphore, #tpu.memory_space<semaphore_mem>>)
      %add3A_108 = arith.constant 1 : i32
      %add3A_109 = arith.addi %add3A_102, %add3A_108 : i32
      %dma_start3A_110 = arith.constant 0 : i32
      %dma_start3A_111 = tpu.memref_slice %arg8[%add3A_109, %dma_start3A_110] : memref<40x128xi32, #tpu.memory_space<vmem>> -> memref<1x128xi32, #tpu.memory_space<vmem>>
      %dma_start3A_112 = tpu.memref_squeeze %dma_start3A_111 : memref<1x128xi32, #tpu.memory_space<vmem>> -> memref<128xi32, #tpu.memory_space<vmem>>
      %dma_start3A_113 = arith.constant 0 : i32
      %dma_start3A_114 = arith.constant 0 : i32
      %dma_start3A_115 = tpu.memref_slice %arg2[%dma_start3A_113, %dma_start3A_114] : memref<30720x128xf32, #tpu.memory_space<hbm>> -> memref<30720x128xf32, #tpu.memory_space<hbm>>
      tpu.enqueue_indirect_dma source(%dma_start3A_115 : memref<30720x128xf32, #tpu.memory_space<hbm>>) target(%arg11 : memref<128x128xf32, #tpu.memory_space<vmem>>) offsets(%dma_start3A_112 : memref<128xi32, #tpu.memory_space<vmem>>) semaphore(%arg13 : memref<!tpu.dma_semaphore, #tpu.memory_space<semaphore_mem>>)
      %dma_wait3A = arith.constant 0 : i32
      %dma_wait3A_116 = tpu.memref_slice %arg8[%add3A_102, %dma_wait3A] : memref<40x128xi32, #tpu.memory_space<vmem>> -> memref<1x128xi32, #tpu.memory_space<vmem>>
      %dma_wait3A_117 = tpu.memref_squeeze %dma_wait3A_116 : memref<1x128xi32, #tpu.memory_space<vmem>> -> memref<128xi32, #tpu.memory_space<vmem>>
      %dma_wait3A_118 = arith.constant 0 : i32
      %dma_wait3A_119 = arith.constant 0 : i32
      %dma_wait3A_120 = tpu.memref_slice %arg2[%dma_wait3A_118, %dma_wait3A_119] : memref<30720x128xf32, #tpu.memory_space<hbm>> -> memref<30720x128xf32, #tpu.memory_space<hbm>>
      tpu.wait_indirect_dma semaphore(%arg12 : memref<!tpu.dma_semaphore, #tpu.memory_space<semaphore_mem>>) src(%dma_wait3A_120 : memref<30720x128xf32, #tpu.memory_space<hbm>>) dst(%arg10 : memref<128x128xf32, #tpu.memory_space<vmem>>)
      "tpu.region"() ({
        %run_scoped3A = tpu.sem_alloc : memref<!tpu.dma_semaphore, #tpu.memory_space<semaphore_mem>>
        %dma_start3A_129 = arith.constant 0 : i32
        %dma_start3A_130 = tpu.memref_slice %arg9[%add3A_102, %dma_start3A_129] : memref<40x128xi32, #tpu.memory_space<vmem>> -> memref<1x128xi32, #tpu.memory_space<vmem>>
        %dma_start3A_131 = tpu.memref_squeeze %dma_start3A_130 : memref<1x128xi32, #tpu.memory_space<vmem>> -> memref<128xi32, #tpu.memory_space<vmem>>
        %dma_start3A_132 = arith.constant 0 : i32
        %dma_start3A_133 = arith.constant 0 : i32
        %dma_start3A_134 = tpu.memref_slice %arg7[%dma_start3A_132, %dma_start3A_133] : memref<7688x128xf32, #tpu.memory_space<vmem_shared>> -> memref<7688x128xf32, #tpu.memory_space<vmem_shared>>
        tpu.enqueue_indirect_dma source(%arg10 : memref<128x128xf32, #tpu.memory_space<vmem>>) target(%dma_start3A_134 : memref<7688x128xf32, #tpu.memory_space<vmem_shared>>) offsets(%dma_start3A_131 : memref<128xi32, #tpu.memory_space<vmem>>) semaphore(%run_scoped3A : memref<!tpu.dma_semaphore, #tpu.memory_space<semaphore_mem>>) {add = true}
        %dma_wait3A_135 = arith.constant 0 : i32
        %dma_wait3A_136 = tpu.memref_slice %arg9[%add3A_102, %dma_wait3A_135] : memref<40x128xi32, #tpu.memory_space<vmem>> -> memref<1x128xi32, #tpu.memory_space<vmem>>
        %dma_wait3A_137 = tpu.memref_squeeze %dma_wait3A_136 : memref<1x128xi32, #tpu.memory_space<vmem>> -> memref<128xi32, #tpu.memory_space<vmem>>
        %dma_wait3A_138 = arith.constant 0 : i32
        %dma_wait3A_139 = arith.constant 0 : i32
        %dma_wait3A_140 = tpu.memref_slice %arg7[%dma_wait3A_138, %dma_wait3A_139] : memref<7688x128xf32, #tpu.memory_space<vmem_shared>> -> memref<7688x128xf32, #tpu.memory_space<vmem_shared>>
        tpu.wait_indirect_dma semaphore(%run_scoped3A : memref<!tpu.dma_semaphore, #tpu.memory_space<semaphore_mem>>) src(%arg10 : memref<128x128xf32, #tpu.memory_space<vmem>>) dst(%dma_wait3A_140 : memref<7688x128xf32, #tpu.memory_space<vmem_shared>>)
        tpu.yield
      }) : () -> ()
      %dma_wait3A_121 = arith.constant 0 : i32
      %dma_wait3A_122 = tpu.memref_slice %arg8[%add3A_109, %dma_wait3A_121] : memref<40x128xi32, #tpu.memory_space<vmem>> -> memref<1x128xi32, #tpu.memory_space<vmem>>
      %dma_wait3A_123 = tpu.memref_squeeze %dma_wait3A_122 : memref<1x128xi32, #tpu.memory_space<vmem>> -> memref<128xi32, #tpu.memory_space<vmem>>
      %dma_wait3A_124 = arith.constant 0 : i32
      %dma_wait3A_125 = arith.constant 0 : i32
      %dma_wait3A_126 = tpu.memref_slice %arg2[%dma_wait3A_124, %dma_wait3A_125] : memref<30720x128xf32, #tpu.memory_space<hbm>> -> memref<30720x128xf32, #tpu.memory_space<hbm>>
      tpu.wait_indirect_dma semaphore(%arg13 : memref<!tpu.dma_semaphore, #tpu.memory_space<semaphore_mem>>) src(%dma_wait3A_126 : memref<30720x128xf32, #tpu.memory_space<hbm>>) dst(%arg11 : memref<128x128xf32, #tpu.memory_space<vmem>>)
      %add3A_127 = arith.constant 1 : i32
      %add3A_128 = arith.addi %add3A_102, %add3A_127 : i32
      "tpu.region"() ({
        %run_scoped3A = tpu.sem_alloc : memref<!tpu.dma_semaphore, #tpu.memory_space<semaphore_mem>>
        %dma_start3A_129 = arith.constant 0 : i32
        %dma_start3A_130 = tpu.memref_slice %arg9[%add3A_128, %dma_start3A_129] : memref<40x128xi32, #tpu.memory_space<vmem>> -> memref<1x128xi32, #tpu.memory_space<vmem>>
        %dma_start3A_131 = tpu.memref_squeeze %dma_start3A_130 : memref<1x128xi32, #tpu.memory_space<vmem>> -> memref<128xi32, #tpu.memory_space<vmem>>
        %dma_start3A_132 = arith.constant 0 : i32
        %dma_start3A_133 = arith.constant 0 : i32
        %dma_start3A_134 = tpu.memref_slice %arg7[%dma_start3A_132, %dma_start3A_133] : memref<7688x128xf32, #tpu.memory_space<vmem_shared>> -> memref<7688x128xf32, #tpu.memory_space<vmem_shared>>
        tpu.enqueue_indirect_dma source(%arg11 : memref<128x128xf32, #tpu.memory_space<vmem>>) target(%dma_start3A_134 : memref<7688x128xf32, #tpu.memory_space<vmem_shared>>) offsets(%dma_start3A_131 : memref<128xi32, #tpu.memory_space<vmem>>) semaphore(%run_scoped3A : memref<!tpu.dma_semaphore, #tpu.memory_space<semaphore_mem>>) {add = true}
        %dma_wait3A_135 = arith.constant 0 : i32
        %dma_wait3A_136 = tpu.memref_slice %arg9[%add3A_128, %dma_wait3A_135] : memref<40x128xi32, #tpu.memory_space<vmem>> -> memref<1x128xi32, #tpu.memory_space<vmem>>
        %dma_wait3A_137 = tpu.memref_squeeze %dma_wait3A_136 : memref<1x128xi32, #tpu.memory_space<vmem>> -> memref<128xi32, #tpu.memory_space<vmem>>
        %dma_wait3A_138 = arith.constant 0 : i32
        %dma_wait3A_139 = arith.constant 0 : i32
        %dma_wait3A_140 = tpu.memref_slice %arg7[%dma_wait3A_138, %dma_wait3A_139] : memref<7688x128xf32, #tpu.memory_space<vmem_shared>> -> memref<7688x128xf32, #tpu.memory_space<vmem_shared>>
        tpu.wait_indirect_dma semaphore(%run_scoped3A : memref<!tpu.dma_semaphore, #tpu.memory_space<semaphore_mem>>) src(%arg11 : memref<128x128xf32, #tpu.memory_space<vmem>>) dst(%dma_wait3A_140 : memref<7688x128xf32, #tpu.memory_space<vmem_shared>>)
        tpu.yield
      }) : () -> ()
    }
    %scan3A_62 = arith.constant 20 : i32
    %mul3A_63 = arith.constant 160 : i32
    %mul3A_64 = arith.muli %arg1, %mul3A_63 : i32
    %add3A_65 = arith.constant 40 : i32
    %add3A_66 = arith.addi %mul3A_64, %add3A_65 : i32
    "tpu.region"() ({
      %run_scoped3A = tpu.sem_alloc : memref<!tpu.dma_semaphore, #tpu.memory_space<semaphore_mem>>
      %dma_start3A = arith.constant 0 : i32
      %dma_start3A_98 = tpu.memref_slice %arg3[%add3A_66, %dma_start3A] : memref<2560x128xi32, #tpu.memory_space<hbm>> -> memref<40x128xi32, #tpu.memory_space<hbm>>
      %dma_start3A_99 = arith.constant 0 : i32
      %dma_start3A_100 = tpu.memref_slice %arg3[%add3A_66, %dma_start3A_99] : memref<2560x128xi32, #tpu.memory_space<hbm>> -> memref<40x128xi32, #tpu.memory_space<hbm>>
      tpu.enqueue_dma source(%dma_start3A_100 : memref<40x128xi32, #tpu.memory_space<hbm>>) target(%arg8 : memref<40x128xi32, #tpu.memory_space<vmem>>) target_semaphore(%run_scoped3A : memref<!tpu.dma_semaphore, #tpu.memory_space<semaphore_mem>>)
      %dma_wait3A = arith.constant 0 : i32
      %dma_wait3A_101 = tpu.memref_slice %arg3[%add3A_66, %dma_wait3A] : memref<2560x128xi32, #tpu.memory_space<hbm>> -> memref<40x128xi32, #tpu.memory_space<hbm>>
      %dma_wait3A_102 = arith.constant 0 : i32
      %dma_wait3A_103 = tpu.memref_slice %arg3[%add3A_66, %dma_wait3A_102] : memref<2560x128xi32, #tpu.memory_space<hbm>> -> memref<40x128xi32, #tpu.memory_space<hbm>>
      tpu.wait_dma2 semaphore(%run_scoped3A : memref<!tpu.dma_semaphore, #tpu.memory_space<semaphore_mem>>) src(%dma_wait3A_103 : memref<40x128xi32, #tpu.memory_space<hbm>>) dst(%arg8 : memref<40x128xi32, #tpu.memory_space<vmem>>)
      tpu.yield
    }) : () -> ()
    "tpu.region"() ({
      %run_scoped3A = tpu.sem_alloc : memref<!tpu.dma_semaphore, #tpu.memory_space<semaphore_mem>>
      %dma_start3A = arith.constant 0 : i32
      %dma_start3A_98 = arith.constant 0 : i32
      %dma_start3A_99 = tpu.memref_slice %arg4[%add3A_50, %dma_start3A, %dma_start3A_98] : memref<4x2560x128xi32, #tpu.memory_space<hbm>> -> memref<1x2560x128xi32, #tpu.memory_space<hbm>>
      %dma_start3A_100 = tpu.memref_squeeze %dma_start3A_99 : memref<1x2560x128xi32, #tpu.memory_space<hbm>> -> memref<2560x128xi32, #tpu.memory_space<hbm>>
      %dma_start3A_101 = arith.constant 0 : i32
      %dma_start3A_102 = tpu.memref_slice %dma_start3A_100[%add3A_66, %dma_start3A_101] : memref<2560x128xi32, #tpu.memory_space<hbm>> -> memref<40x128xi32, #tpu.memory_space<hbm>>
      %dma_start3A_103 = arith.constant 0 : i32
      %dma_start3A_104 = arith.constant 0 : i32
      %dma_start3A_105 = tpu.memref_slice %arg4[%add3A_50, %dma_start3A_103, %dma_start3A_104] : memref<4x2560x128xi32, #tpu.memory_space<hbm>> -> memref<1x2560x128xi32, #tpu.memory_space<hbm>>
      %dma_start3A_106 = tpu.memref_squeeze %dma_start3A_105 : memref<1x2560x128xi32, #tpu.memory_space<hbm>> -> memref<2560x128xi32, #tpu.memory_space<hbm>>
      %dma_start3A_107 = arith.constant 0 : i32
      %dma_start3A_108 = tpu.memref_slice %dma_start3A_106[%add3A_66, %dma_start3A_107] : memref<2560x128xi32, #tpu.memory_space<hbm>> -> memref<40x128xi32, #tpu.memory_space<hbm>>
      tpu.enqueue_dma source(%dma_start3A_108 : memref<40x128xi32, #tpu.memory_space<hbm>>) target(%arg9 : memref<40x128xi32, #tpu.memory_space<vmem>>) target_semaphore(%run_scoped3A : memref<!tpu.dma_semaphore, #tpu.memory_space<semaphore_mem>>)
      %dma_wait3A = arith.constant 0 : i32
      %dma_wait3A_109 = arith.constant 0 : i32
      %dma_wait3A_110 = tpu.memref_slice %arg4[%add3A_50, %dma_wait3A, %dma_wait3A_109] : memref<4x2560x128xi32, #tpu.memory_space<hbm>> -> memref<1x2560x128xi32, #tpu.memory_space<hbm>>
      %dma_wait3A_111 = tpu.memref_squeeze %dma_wait3A_110 : memref<1x2560x128xi32, #tpu.memory_space<hbm>> -> memref<2560x128xi32, #tpu.memory_space<hbm>>
      %dma_wait3A_112 = arith.constant 0 : i32
      %dma_wait3A_113 = tpu.memref_slice %dma_wait3A_111[%add3A_66, %dma_wait3A_112] : memref<2560x128xi32, #tpu.memory_space<hbm>> -> memref<40x128xi32, #tpu.memory_space<hbm>>
      %dma_wait3A_114 = arith.constant 0 : i32
      %dma_wait3A_115 = arith.constant 0 : i32
      %dma_wait3A_116 = tpu.memref_slice %arg4[%add3A_50, %dma_wait3A_114, %dma_wait3A_115] : memref<4x2560x128xi32, #tpu.memory_space<hbm>> -> memref<1x2560x128xi32, #tpu.memory_space<hbm>>
      %dma_wait3A_117 = tpu.memref_squeeze %dma_wait3A_116 : memref<1x2560x128xi32, #tpu.memory_space<hbm>> -> memref<2560x128xi32, #tpu.memory_space<hbm>>
      %dma_wait3A_118 = arith.constant 0 : i32
      %dma_wait3A_119 = tpu.memref_slice %dma_wait3A_117[%add3A_66, %dma_wait3A_118] : memref<2560x128xi32, #tpu.memory_space<hbm>> -> memref<40x128xi32, #tpu.memory_space<hbm>>
      tpu.wait_dma2 semaphore(%run_scoped3A : memref<!tpu.dma_semaphore, #tpu.memory_space<semaphore_mem>>) src(%dma_wait3A_119 : memref<40x128xi32, #tpu.memory_space<hbm>>) dst(%arg9 : memref<40x128xi32, #tpu.memory_space<vmem>>)
      tpu.yield
    }) : () -> ()
    %scan3A_67 = arith.constant 0 : i32
    %scan3A_68 = arith.constant 20 : i32
    %scan3A_69 = arith.addi %scan3A_67, %scan3A_68 : i32
    %scan3A_70 = arith.constant 1 : i32
    scf.for %scan3A_98 = %scan3A_67 to %scan3A_69 step %scan3A_70  : i32 {
      %mul3A_99 = arith.constant 2 : i32
      %mul3A_100 = arith.muli %scan3A_98, %mul3A_99 : i32
      %add3A_101 = arith.constant 0 : i32
      %add3A_102 = arith.addi %add3A_101, %mul3A_100 : i32
      %dma_start3A = arith.constant 0 : i32
      %dma_start3A_103 = tpu.memref_slice %arg8[%add3A_102, %dma_start3A] : memref<40x128xi32, #tpu.memory_space<vmem>> -> memref<1x128xi32, #tpu.memory_space<vmem>>
      %dma_start3A_104 = tpu.memref_squeeze %dma_start3A_103 : memref<1x128xi32, #tpu.memory_space<vmem>> -> memref<128xi32, #tpu.memory_space<vmem>>
      %dma_start3A_105 = arith.constant 0 : i32
      %dma_start3A_106 = arith.constant 0 : i32
      %dma_start3A_107 = tpu.memref_slice %arg2[%dma_start3A_105, %dma_start3A_106] : memref<30720x128xf32, #tpu.memory_space<hbm>> -> memref<30720x128xf32, #tpu.memory_space<hbm>>
      tpu.enqueue_indirect_dma source(%dma_start3A_107 : memref<30720x128xf32, #tpu.memory_space<hbm>>) target(%arg10 : memref<128x128xf32, #tpu.memory_space<vmem>>) offsets(%dma_start3A_104 : memref<128xi32, #tpu.memory_space<vmem>>) semaphore(%arg12 : memref<!tpu.dma_semaphore, #tpu.memory_space<semaphore_mem>>)
      %add3A_108 = arith.constant 1 : i32
      %add3A_109 = arith.addi %add3A_102, %add3A_108 : i32
      %dma_start3A_110 = arith.constant 0 : i32
      %dma_start3A_111 = tpu.memref_slice %arg8[%add3A_109, %dma_start3A_110] : memref<40x128xi32, #tpu.memory_space<vmem>> -> memref<1x128xi32, #tpu.memory_space<vmem>>
      %dma_start3A_112 = tpu.memref_squeeze %dma_start3A_111 : memref<1x128xi32, #tpu.memory_space<vmem>> -> memref<128xi32, #tpu.memory_space<vmem>>
      %dma_start3A_113 = arith.constant 0 : i32
      %dma_start3A_114 = arith.constant 0 : i32
      %dma_start3A_115 = tpu.memref_slice %arg2[%dma_start3A_113, %dma_start3A_114] : memref<30720x128xf32, #tpu.memory_space<hbm>> -> memref<30720x128xf32, #tpu.memory_space<hbm>>
      tpu.enqueue_indirect_dma source(%dma_start3A_115 : memref<30720x128xf32, #tpu.memory_space<hbm>>) target(%arg11 : memref<128x128xf32, #tpu.memory_space<vmem>>) offsets(%dma_start3A_112 : memref<128xi32, #tpu.memory_space<vmem>>) semaphore(%arg13 : memref<!tpu.dma_semaphore, #tpu.memory_space<semaphore_mem>>)
      %dma_wait3A = arith.constant 0 : i32
      %dma_wait3A_116 = tpu.memref_slice %arg8[%add3A_102, %dma_wait3A] : memref<40x128xi32, #tpu.memory_space<vmem>> -> memref<1x128xi32, #tpu.memory_space<vmem>>
      %dma_wait3A_117 = tpu.memref_squeeze %dma_wait3A_116 : memref<1x128xi32, #tpu.memory_space<vmem>> -> memref<128xi32, #tpu.memory_space<vmem>>
      %dma_wait3A_118 = arith.constant 0 : i32
      %dma_wait3A_119 = arith.constant 0 : i32
      %dma_wait3A_120 = tpu.memref_slice %arg2[%dma_wait3A_118, %dma_wait3A_119] : memref<30720x128xf32, #tpu.memory_space<hbm>> -> memref<30720x128xf32, #tpu.memory_space<hbm>>
      tpu.wait_indirect_dma semaphore(%arg12 : memref<!tpu.dma_semaphore, #tpu.memory_space<semaphore_mem>>) src(%dma_wait3A_120 : memref<30720x128xf32, #tpu.memory_space<hbm>>) dst(%arg10 : memref<128x128xf32, #tpu.memory_space<vmem>>)
      "tpu.region"() ({
        %run_scoped3A = tpu.sem_alloc : memref<!tpu.dma_semaphore, #tpu.memory_space<semaphore_mem>>
        %dma_start3A_129 = arith.constant 0 : i32
        %dma_start3A_130 = tpu.memref_slice %arg9[%add3A_102, %dma_start3A_129] : memref<40x128xi32, #tpu.memory_space<vmem>> -> memref<1x128xi32, #tpu.memory_space<vmem>>
        %dma_start3A_131 = tpu.memref_squeeze %dma_start3A_130 : memref<1x128xi32, #tpu.memory_space<vmem>> -> memref<128xi32, #tpu.memory_space<vmem>>
        %dma_start3A_132 = arith.constant 0 : i32
        %dma_start3A_133 = arith.constant 0 : i32
        %dma_start3A_134 = tpu.memref_slice %arg7[%dma_start3A_132, %dma_start3A_133] : memref<7688x128xf32, #tpu.memory_space<vmem_shared>> -> memref<7688x128xf32, #tpu.memory_space<vmem_shared>>
        tpu.enqueue_indirect_dma source(%arg10 : memref<128x128xf32, #tpu.memory_space<vmem>>) target(%dma_start3A_134 : memref<7688x128xf32, #tpu.memory_space<vmem_shared>>) offsets(%dma_start3A_131 : memref<128xi32, #tpu.memory_space<vmem>>) semaphore(%run_scoped3A : memref<!tpu.dma_semaphore, #tpu.memory_space<semaphore_mem>>) {add = true}
        %dma_wait3A_135 = arith.constant 0 : i32
        %dma_wait3A_136 = tpu.memref_slice %arg9[%add3A_102, %dma_wait3A_135] : memref<40x128xi32, #tpu.memory_space<vmem>> -> memref<1x128xi32, #tpu.memory_space<vmem>>
        %dma_wait3A_137 = tpu.memref_squeeze %dma_wait3A_136 : memref<1x128xi32, #tpu.memory_space<vmem>> -> memref<128xi32, #tpu.memory_space<vmem>>
        %dma_wait3A_138 = arith.constant 0 : i32
        %dma_wait3A_139 = arith.constant 0 : i32
        %dma_wait3A_140 = tpu.memref_slice %arg7[%dma_wait3A_138, %dma_wait3A_139] : memref<7688x128xf32, #tpu.memory_space<vmem_shared>> -> memref<7688x128xf32, #tpu.memory_space<vmem_shared>>
        tpu.wait_indirect_dma semaphore(%run_scoped3A : memref<!tpu.dma_semaphore, #tpu.memory_space<semaphore_mem>>) src(%arg10 : memref<128x128xf32, #tpu.memory_space<vmem>>) dst(%dma_wait3A_140 : memref<7688x128xf32, #tpu.memory_space<vmem_shared>>)
        tpu.yield
      }) : () -> ()
      %dma_wait3A_121 = arith.constant 0 : i32
      %dma_wait3A_122 = tpu.memref_slice %arg8[%add3A_109, %dma_wait3A_121] : memref<40x128xi32, #tpu.memory_space<vmem>> -> memref<1x128xi32, #tpu.memory_space<vmem>>
      %dma_wait3A_123 = tpu.memref_squeeze %dma_wait3A_122 : memref<1x128xi32, #tpu.memory_space<vmem>> -> memref<128xi32, #tpu.memory_space<vmem>>
      %dma_wait3A_124 = arith.constant 0 : i32
      %dma_wait3A_125 = arith.constant 0 : i32
      %dma_wait3A_126 = tpu.memref_slice %arg2[%dma_wait3A_124, %dma_wait3A_125] : memref<30720x128xf32, #tpu.memory_space<hbm>> -> memref<30720x128xf32, #tpu.memory_space<hbm>>
      tpu.wait_indirect_dma semaphore(%arg13 : memref<!tpu.dma_semaphore, #tpu.memory_space<semaphore_mem>>) src(%dma_wait3A_126 : memref<30720x128xf32, #tpu.memory_space<hbm>>) dst(%arg11 : memref<128x128xf32, #tpu.memory_space<vmem>>)
      %add3A_127 = arith.constant 1 : i32
      %add3A_128 = arith.addi %add3A_102, %add3A_127 : i32
      "tpu.region"() ({
        %run_scoped3A = tpu.sem_alloc : memref<!tpu.dma_semaphore, #tpu.memory_space<semaphore_mem>>
        %dma_start3A_129 = arith.constant 0 : i32
        %dma_start3A_130 = tpu.memref_slice %arg9[%add3A_128, %dma_start3A_129] : memref<40x128xi32, #tpu.memory_space<vmem>> -> memref<1x128xi32, #tpu.memory_space<vmem>>
        %dma_start3A_131 = tpu.memref_squeeze %dma_start3A_130 : memref<1x128xi32, #tpu.memory_space<vmem>> -> memref<128xi32, #tpu.memory_space<vmem>>
        %dma_start3A_132 = arith.constant 0 : i32
        %dma_start3A_133 = arith.constant 0 : i32
        %dma_start3A_134 = tpu.memref_slice %arg7[%dma_start3A_132, %dma_start3A_133] : memref<7688x128xf32, #tpu.memory_space<vmem_shared>> -> memref<7688x128xf32, #tpu.memory_space<vmem_shared>>
        tpu.enqueue_indirect_dma source(%arg11 : memref<128x128xf32, #tpu.memory_space<vmem>>) target(%dma_start3A_134 : memref<7688x128xf32, #tpu.memory_space<vmem_shared>>) offsets(%dma_start3A_131 : memref<128xi32, #tpu.memory_space<vmem>>) semaphore(%run_scoped3A : memref<!tpu.dma_semaphore, #tpu.memory_space<semaphore_mem>>) {add = true}
        %dma_wait3A_135 = arith.constant 0 : i32
        %dma_wait3A_136 = tpu.memref_slice %arg9[%add3A_128, %dma_wait3A_135] : memref<40x128xi32, #tpu.memory_space<vmem>> -> memref<1x128xi32, #tpu.memory_space<vmem>>
        %dma_wait3A_137 = tpu.memref_squeeze %dma_wait3A_136 : memref<1x128xi32, #tpu.memory_space<vmem>> -> memref<128xi32, #tpu.memory_space<vmem>>
        %dma_wait3A_138 = arith.constant 0 : i32
        %dma_wait3A_139 = arith.constant 0 : i32
        %dma_wait3A_140 = tpu.memref_slice %arg7[%dma_wait3A_138, %dma_wait3A_139] : memref<7688x128xf32, #tpu.memory_space<vmem_shared>> -> memref<7688x128xf32, #tpu.memory_space<vmem_shared>>
        tpu.wait_indirect_dma semaphore(%run_scoped3A : memref<!tpu.dma_semaphore, #tpu.memory_space<semaphore_mem>>) src(%arg11 : memref<128x128xf32, #tpu.memory_space<vmem>>) dst(%dma_wait3A_140 : memref<7688x128xf32, #tpu.memory_space<vmem_shared>>)
        tpu.yield
      }) : () -> ()
    }
    %scan3A_71 = arith.constant 20 : i32
    %mul3A_72 = arith.constant 160 : i32
    %mul3A_73 = arith.muli %arg1, %mul3A_72 : i32
    %add3A_74 = arith.constant 80 : i32
    %add3A_75 = arith.addi %mul3A_73, %add3A_74 : i32
    "tpu.region"() ({
      %run_scoped3A = tpu.sem_alloc : memref<!tpu.dma_semaphore, #tpu.memory_space<semaphore_mem>>
      %dma_start3A = arith.constant 0 : i32
      %dma_start3A_98 = tpu.memref_slice %arg3[%add3A_75, %dma_start3A] : memref<2560x128xi32, #tpu.memory_space<hbm>> -> memref<40x128xi32, #tpu.memory_space<hbm>>
      %dma_start3A_99 = arith.constant 0 : i32
      %dma_start3A_100 = tpu.memref_slice %arg3[%add3A_75, %dma_start3A_99] : memref<2560x128xi32, #tpu.memory_space<hbm>> -> memref<40x128xi32, #tpu.memory_space<hbm>>
      tpu.enqueue_dma source(%dma_start3A_100 : memref<40x128xi32, #tpu.memory_space<hbm>>) target(%arg8 : memref<40x128xi32, #tpu.memory_space<vmem>>) target_semaphore(%run_scoped3A : memref<!tpu.dma_semaphore, #tpu.memory_space<semaphore_mem>>)
      %dma_wait3A = arith.constant 0 : i32
      %dma_wait3A_101 = tpu.memref_slice %arg3[%add3A_75, %dma_wait3A] : memref<2560x128xi32, #tpu.memory_space<hbm>> -> memref<40x128xi32, #tpu.memory_space<hbm>>
      %dma_wait3A_102 = arith.constant 0 : i32
      %dma_wait3A_103 = tpu.memref_slice %arg3[%add3A_75, %dma_wait3A_102] : memref<2560x128xi32, #tpu.memory_space<hbm>> -> memref<40x128xi32, #tpu.memory_space<hbm>>
      tpu.wait_dma2 semaphore(%run_scoped3A : memref<!tpu.dma_semaphore, #tpu.memory_space<semaphore_mem>>) src(%dma_wait3A_103 : memref<40x128xi32, #tpu.memory_space<hbm>>) dst(%arg8 : memref<40x128xi32, #tpu.memory_space<vmem>>)
      tpu.yield
    }) : () -> ()
    "tpu.region"() ({
      %run_scoped3A = tpu.sem_alloc : memref<!tpu.dma_semaphore, #tpu.memory_space<semaphore_mem>>
      %dma_start3A = arith.constant 0 : i32
      %dma_start3A_98 = arith.constant 0 : i32
      %dma_start3A_99 = tpu.memref_slice %arg4[%add3A_50, %dma_start3A, %dma_start3A_98] : memref<4x2560x128xi32, #tpu.memory_space<hbm>> -> memref<1x2560x128xi32, #tpu.memory_space<hbm>>
      %dma_start3A_100 = tpu.memref_squeeze %dma_start3A_99 : memref<1x2560x128xi32, #tpu.memory_space<hbm>> -> memref<2560x128xi32, #tpu.memory_space<hbm>>
      %dma_start3A_101 = arith.constant 0 : i32
      %dma_start3A_102 = tpu.memref_slice %dma_start3A_100[%add3A_75, %dma_start3A_101] : memref<2560x128xi32, #tpu.memory_space<hbm>> -> memref<40x128xi32, #tpu.memory_space<hbm>>
      %dma_start3A_103 = arith.constant 0 : i32
      %dma_start3A_104 = arith.constant 0 : i32
      %dma_start3A_105 = tpu.memref_slice %arg4[%add3A_50, %dma_start3A_103, %dma_start3A_104] : memref<4x2560x128xi32, #tpu.memory_space<hbm>> -> memref<1x2560x128xi32, #tpu.memory_space<hbm>>
      %dma_start3A_106 = tpu.memref_squeeze %dma_start3A_105 : memref<1x2560x128xi32, #tpu.memory_space<hbm>> -> memref<2560x128xi32, #tpu.memory_space<hbm>>
      %dma_start3A_107 = arith.constant 0 : i32
      %dma_start3A_108 = tpu.memref_slice %dma_start3A_106[%add3A_75, %dma_start3A_107] : memref<2560x128xi32, #tpu.memory_space<hbm>> -> memref<40x128xi32, #tpu.memory_space<hbm>>
      tpu.enqueue_dma source(%dma_start3A_108 : memref<40x128xi32, #tpu.memory_space<hbm>>) target(%arg9 : memref<40x128xi32, #tpu.memory_space<vmem>>) target_semaphore(%run_scoped3A : memref<!tpu.dma_semaphore, #tpu.memory_space<semaphore_mem>>)
      %dma_wait3A = arith.constant 0 : i32
      %dma_wait3A_109 = arith.constant 0 : i32
      %dma_wait3A_110 = tpu.memref_slice %arg4[%add3A_50, %dma_wait3A, %dma_wait3A_109] : memref<4x2560x128xi32, #tpu.memory_space<hbm>> -> memref<1x2560x128xi32, #tpu.memory_space<hbm>>
      %dma_wait3A_111 = tpu.memref_squeeze %dma_wait3A_110 : memref<1x2560x128xi32, #tpu.memory_space<hbm>> -> memref<2560x128xi32, #tpu.memory_space<hbm>>
      %dma_wait3A_112 = arith.constant 0 : i32
      %dma_wait3A_113 = tpu.memref_slice %dma_wait3A_111[%add3A_75, %dma_wait3A_112] : memref<2560x128xi32, #tpu.memory_space<hbm>> -> memref<40x128xi32, #tpu.memory_space<hbm>>
      %dma_wait3A_114 = arith.constant 0 : i32
      %dma_wait3A_115 = arith.constant 0 : i32
      %dma_wait3A_116 = tpu.memref_slice %arg4[%add3A_50, %dma_wait3A_114, %dma_wait3A_115] : memref<4x2560x128xi32, #tpu.memory_space<hbm>> -> memref<1x2560x128xi32, #tpu.memory_space<hbm>>
      %dma_wait3A_117 = tpu.memref_squeeze %dma_wait3A_116 : memref<1x2560x128xi32, #tpu.memory_space<hbm>> -> memref<2560x128xi32, #tpu.memory_space<hbm>>
      %dma_wait3A_118 = arith.constant 0 : i32
      %dma_wait3A_119 = tpu.memref_slice %dma_wait3A_117[%add3A_75, %dma_wait3A_118] : memref<2560x128xi32, #tpu.memory_space<hbm>> -> memref<40x128xi32, #tpu.memory_space<hbm>>
      tpu.wait_dma2 semaphore(%run_scoped3A : memref<!tpu.dma_semaphore, #tpu.memory_space<semaphore_mem>>) src(%dma_wait3A_119 : memref<40x128xi32, #tpu.memory_space<hbm>>) dst(%arg9 : memref<40x128xi32, #tpu.memory_space<vmem>>)
      tpu.yield
    }) : () -> ()
    %scan3A_76 = arith.constant 0 : i32
    %scan3A_77 = arith.constant 20 : i32
    %scan3A_78 = arith.addi %scan3A_76, %scan3A_77 : i32
    %scan3A_79 = arith.constant 1 : i32
    scf.for %scan3A_98 = %scan3A_76 to %scan3A_78 step %scan3A_79  : i32 {
      %mul3A_99 = arith.constant 2 : i32
      %mul3A_100 = arith.muli %scan3A_98, %mul3A_99 : i32
      %add3A_101 = arith.constant 0 : i32
      %add3A_102 = arith.addi %add3A_101, %mul3A_100 : i32
      %dma_start3A = arith.constant 0 : i32
      %dma_start3A_103 = tpu.memref_slice %arg8[%add3A_102, %dma_start3A] : memref<40x128xi32, #tpu.memory_space<vmem>> -> memref<1x128xi32, #tpu.memory_space<vmem>>
      %dma_start3A_104 = tpu.memref_squeeze %dma_start3A_103 : memref<1x128xi32, #tpu.memory_space<vmem>> -> memref<128xi32, #tpu.memory_space<vmem>>
      %dma_start3A_105 = arith.constant 0 : i32
      %dma_start3A_106 = arith.constant 0 : i32
      %dma_start3A_107 = tpu.memref_slice %arg2[%dma_start3A_105, %dma_start3A_106] : memref<30720x128xf32, #tpu.memory_space<hbm>> -> memref<30720x128xf32, #tpu.memory_space<hbm>>
      tpu.enqueue_indirect_dma source(%dma_start3A_107 : memref<30720x128xf32, #tpu.memory_space<hbm>>) target(%arg10 : memref<128x128xf32, #tpu.memory_space<vmem>>) offsets(%dma_start3A_104 : memref<128xi32, #tpu.memory_space<vmem>>) semaphore(%arg12 : memref<!tpu.dma_semaphore, #tpu.memory_space<semaphore_mem>>)
      %add3A_108 = arith.constant 1 : i32
      %add3A_109 = arith.addi %add3A_102, %add3A_108 : i32
      %dma_start3A_110 = arith.constant 0 : i32
      %dma_start3A_111 = tpu.memref_slice %arg8[%add3A_109, %dma_start3A_110] : memref<40x128xi32, #tpu.memory_space<vmem>> -> memref<1x128xi32, #tpu.memory_space<vmem>>
      %dma_start3A_112 = tpu.memref_squeeze %dma_start3A_111 : memref<1x128xi32, #tpu.memory_space<vmem>> -> memref<128xi32, #tpu.memory_space<vmem>>
      %dma_start3A_113 = arith.constant 0 : i32
      %dma_start3A_114 = arith.constant 0 : i32
      %dma_start3A_115 = tpu.memref_slice %arg2[%dma_start3A_113, %dma_start3A_114] : memref<30720x128xf32, #tpu.memory_space<hbm>> -> memref<30720x128xf32, #tpu.memory_space<hbm>>
      tpu.enqueue_indirect_dma source(%dma_start3A_115 : memref<30720x128xf32, #tpu.memory_space<hbm>>) target(%arg11 : memref<128x128xf32, #tpu.memory_space<vmem>>) offsets(%dma_start3A_112 : memref<128xi32, #tpu.memory_space<vmem>>) semaphore(%arg13 : memref<!tpu.dma_semaphore, #tpu.memory_space<semaphore_mem>>)
      %dma_wait3A = arith.constant 0 : i32
      %dma_wait3A_116 = tpu.memref_slice %arg8[%add3A_102, %dma_wait3A] : memref<40x128xi32, #tpu.memory_space<vmem>> -> memref<1x128xi32, #tpu.memory_space<vmem>>
      %dma_wait3A_117 = tpu.memref_squeeze %dma_wait3A_116 : memref<1x128xi32, #tpu.memory_space<vmem>> -> memref<128xi32, #tpu.memory_space<vmem>>
      %dma_wait3A_118 = arith.constant 0 : i32
      %dma_wait3A_119 = arith.constant 0 : i32
      %dma_wait3A_120 = tpu.memref_slice %arg2[%dma_wait3A_118, %dma_wait3A_119] : memref<30720x128xf32, #tpu.memory_space<hbm>> -> memref<30720x128xf32, #tpu.memory_space<hbm>>
      tpu.wait_indirect_dma semaphore(%arg12 : memref<!tpu.dma_semaphore, #tpu.memory_space<semaphore_mem>>) src(%dma_wait3A_120 : memref<30720x128xf32, #tpu.memory_space<hbm>>) dst(%arg10 : memref<128x128xf32, #tpu.memory_space<vmem>>)
      "tpu.region"() ({
        %run_scoped3A = tpu.sem_alloc : memref<!tpu.dma_semaphore, #tpu.memory_space<semaphore_mem>>
        %dma_start3A_129 = arith.constant 0 : i32
        %dma_start3A_130 = tpu.memref_slice %arg9[%add3A_102, %dma_start3A_129] : memref<40x128xi32, #tpu.memory_space<vmem>> -> memref<1x128xi32, #tpu.memory_space<vmem>>
        %dma_start3A_131 = tpu.memref_squeeze %dma_start3A_130 : memref<1x128xi32, #tpu.memory_space<vmem>> -> memref<128xi32, #tpu.memory_space<vmem>>
        %dma_start3A_132 = arith.constant 0 : i32
        %dma_start3A_133 = arith.constant 0 : i32
        %dma_start3A_134 = tpu.memref_slice %arg7[%dma_start3A_132, %dma_start3A_133] : memref<7688x128xf32, #tpu.memory_space<vmem_shared>> -> memref<7688x128xf32, #tpu.memory_space<vmem_shared>>
        tpu.enqueue_indirect_dma source(%arg10 : memref<128x128xf32, #tpu.memory_space<vmem>>) target(%dma_start3A_134 : memref<7688x128xf32, #tpu.memory_space<vmem_shared>>) offsets(%dma_start3A_131 : memref<128xi32, #tpu.memory_space<vmem>>) semaphore(%run_scoped3A : memref<!tpu.dma_semaphore, #tpu.memory_space<semaphore_mem>>) {add = true}
        %dma_wait3A_135 = arith.constant 0 : i32
        %dma_wait3A_136 = tpu.memref_slice %arg9[%add3A_102, %dma_wait3A_135] : memref<40x128xi32, #tpu.memory_space<vmem>> -> memref<1x128xi32, #tpu.memory_space<vmem>>
        %dma_wait3A_137 = tpu.memref_squeeze %dma_wait3A_136 : memref<1x128xi32, #tpu.memory_space<vmem>> -> memref<128xi32, #tpu.memory_space<vmem>>
        %dma_wait3A_138 = arith.constant 0 : i32
        %dma_wait3A_139 = arith.constant 0 : i32
        %dma_wait3A_140 = tpu.memref_slice %arg7[%dma_wait3A_138, %dma_wait3A_139] : memref<7688x128xf32, #tpu.memory_space<vmem_shared>> -> memref<7688x128xf32, #tpu.memory_space<vmem_shared>>
        tpu.wait_indirect_dma semaphore(%run_scoped3A : memref<!tpu.dma_semaphore, #tpu.memory_space<semaphore_mem>>) src(%arg10 : memref<128x128xf32, #tpu.memory_space<vmem>>) dst(%dma_wait3A_140 : memref<7688x128xf32, #tpu.memory_space<vmem_shared>>)
        tpu.yield
      }) : () -> ()
      %dma_wait3A_121 = arith.constant 0 : i32
      %dma_wait3A_122 = tpu.memref_slice %arg8[%add3A_109, %dma_wait3A_121] : memref<40x128xi32, #tpu.memory_space<vmem>> -> memref<1x128xi32, #tpu.memory_space<vmem>>
      %dma_wait3A_123 = tpu.memref_squeeze %dma_wait3A_122 : memref<1x128xi32, #tpu.memory_space<vmem>> -> memref<128xi32, #tpu.memory_space<vmem>>
      %dma_wait3A_124 = arith.constant 0 : i32
      %dma_wait3A_125 = arith.constant 0 : i32
      %dma_wait3A_126 = tpu.memref_slice %arg2[%dma_wait3A_124, %dma_wait3A_125] : memref<30720x128xf32, #tpu.memory_space<hbm>> -> memref<30720x128xf32, #tpu.memory_space<hbm>>
      tpu.wait_indirect_dma semaphore(%arg13 : memref<!tpu.dma_semaphore, #tpu.memory_space<semaphore_mem>>) src(%dma_wait3A_126 : memref<30720x128xf32, #tpu.memory_space<hbm>>) dst(%arg11 : memref<128x128xf32, #tpu.memory_space<vmem>>)
      %add3A_127 = arith.constant 1 : i32
      %add3A_128 = arith.addi %add3A_102, %add3A_127 : i32
      "tpu.region"() ({
        %run_scoped3A = tpu.sem_alloc : memref<!tpu.dma_semaphore, #tpu.memory_space<semaphore_mem>>
        %dma_start3A_129 = arith.constant 0 : i32
        %dma_start3A_130 = tpu.memref_slice %arg9[%add3A_128, %dma_start3A_129] : memref<40x128xi32, #tpu.memory_space<vmem>> -> memref<1x128xi32, #tpu.memory_space<vmem>>
        %dma_start3A_131 = tpu.memref_squeeze %dma_start3A_130 : memref<1x128xi32, #tpu.memory_space<vmem>> -> memref<128xi32, #tpu.memory_space<vmem>>
        %dma_start3A_132 = arith.constant 0 : i32
        %dma_start3A_133 = arith.constant 0 : i32
        %dma_start3A_134 = tpu.memref_slice %arg7[%dma_start3A_132, %dma_start3A_133] : memref<7688x128xf32, #tpu.memory_space<vmem_shared>> -> memref<7688x128xf32, #tpu.memory_space<vmem_shared>>
        tpu.enqueue_indirect_dma source(%arg11 : memref<128x128xf32, #tpu.memory_space<vmem>>) target(%dma_start3A_134 : memref<7688x128xf32, #tpu.memory_space<vmem_shared>>) offsets(%dma_start3A_131 : memref<128xi32, #tpu.memory_space<vmem>>) semaphore(%run_scoped3A : memref<!tpu.dma_semaphore, #tpu.memory_space<semaphore_mem>>) {add = true}
        %dma_wait3A_135 = arith.constant 0 : i32
        %dma_wait3A_136 = tpu.memref_slice %arg9[%add3A_128, %dma_wait3A_135] : memref<40x128xi32, #tpu.memory_space<vmem>> -> memref<1x128xi32, #tpu.memory_space<vmem>>
        %dma_wait3A_137 = tpu.memref_squeeze %dma_wait3A_136 : memref<1x128xi32, #tpu.memory_space<vmem>> -> memref<128xi32, #tpu.memory_space<vmem>>
        %dma_wait3A_138 = arith.constant 0 : i32
        %dma_wait3A_139 = arith.constant 0 : i32
        %dma_wait3A_140 = tpu.memref_slice %arg7[%dma_wait3A_138, %dma_wait3A_139] : memref<7688x128xf32, #tpu.memory_space<vmem_shared>> -> memref<7688x128xf32, #tpu.memory_space<vmem_shared>>
        tpu.wait_indirect_dma semaphore(%run_scoped3A : memref<!tpu.dma_semaphore, #tpu.memory_space<semaphore_mem>>) src(%arg11 : memref<128x128xf32, #tpu.memory_space<vmem>>) dst(%dma_wait3A_140 : memref<7688x128xf32, #tpu.memory_space<vmem_shared>>)
        tpu.yield
      }) : () -> ()
    }
    %scan3A_80 = arith.constant 20 : i32
    %mul3A_81 = arith.constant 160 : i32
    %mul3A_82 = arith.muli %arg1, %mul3A_81 : i32
    %add3A_83 = arith.constant 120 : i32
    %add3A_84 = arith.addi %mul3A_82, %add3A_83 : i32
    "tpu.region"() ({
      %run_scoped3A = tpu.sem_alloc : memref<!tpu.dma_semaphore, #tpu.memory_space<semaphore_mem>>
      %dma_start3A = arith.constant 0 : i32
      %dma_start3A_98 = tpu.memref_slice %arg3[%add3A_84, %dma_start3A] : memref<2560x128xi32, #tpu.memory_space<hbm>> -> memref<40x128xi32, #tpu.memory_space<hbm>>
      %dma_start3A_99 = arith.constant 0 : i32
      %dma_start3A_100 = tpu.memref_slice %arg3[%add3A_84, %dma_start3A_99] : memref<2560x128xi32, #tpu.memory_space<hbm>> -> memref<40x128xi32, #tpu.memory_space<hbm>>
      tpu.enqueue_dma source(%dma_start3A_100 : memref<40x128xi32, #tpu.memory_space<hbm>>) target(%arg8 : memref<40x128xi32, #tpu.memory_space<vmem>>) target_semaphore(%run_scoped3A : memref<!tpu.dma_semaphore, #tpu.memory_space<semaphore_mem>>)
      %dma_wait3A = arith.constant 0 : i32
      %dma_wait3A_101 = tpu.memref_slice %arg3[%add3A_84, %dma_wait3A] : memref<2560x128xi32, #tpu.memory_space<hbm>> -> memref<40x128xi32, #tpu.memory_space<hbm>>
      %dma_wait3A_102 = arith.constant 0 : i32
      %dma_wait3A_103 = tpu.memref_slice %arg3[%add3A_84, %dma_wait3A_102] : memref<2560x128xi32, #tpu.memory_space<hbm>> -> memref<40x128xi32, #tpu.memory_space<hbm>>
      tpu.wait_dma2 semaphore(%run_scoped3A : memref<!tpu.dma_semaphore, #tpu.memory_space<semaphore_mem>>) src(%dma_wait3A_103 : memref<40x128xi32, #tpu.memory_space<hbm>>) dst(%arg8 : memref<40x128xi32, #tpu.memory_space<vmem>>)
      tpu.yield
    }) : () -> ()
    "tpu.region"() ({
      %run_scoped3A = tpu.sem_alloc : memref<!tpu.dma_semaphore, #tpu.memory_space<semaphore_mem>>
      %dma_start3A = arith.constant 0 : i32
      %dma_start3A_98 = arith.constant 0 : i32
      %dma_start3A_99 = tpu.memref_slice %arg4[%add3A_50, %dma_start3A, %dma_start3A_98] : memref<4x2560x128xi32, #tpu.memory_space<hbm>> -> memref<1x2560x128xi32, #tpu.memory_space<hbm>>
      %dma_start3A_100 = tpu.memref_squeeze %dma_start3A_99 : memref<1x2560x128xi32, #tpu.memory_space<hbm>> -> memref<2560x128xi32, #tpu.memory_space<hbm>>
      %dma_start3A_101 = arith.constant 0 : i32
      %dma_start3A_102 = tpu.memref_slice %dma_start3A_100[%add3A_84, %dma_start3A_101] : memref<2560x128xi32, #tpu.memory_space<hbm>> -> memref<40x128xi32, #tpu.memory_space<hbm>>
      %dma_start3A_103 = arith.constant 0 : i32
      %dma_start3A_104 = arith.constant 0 : i32
      %dma_start3A_105 = tpu.memref_slice %arg4[%add3A_50, %dma_start3A_103, %dma_start3A_104] : memref<4x2560x128xi32, #tpu.memory_space<hbm>> -> memref<1x2560x128xi32, #tpu.memory_space<hbm>>
      %dma_start3A_106 = tpu.memref_squeeze %dma_start3A_105 : memref<1x2560x128xi32, #tpu.memory_space<hbm>> -> memref<2560x128xi32, #tpu.memory_space<hbm>>
      %dma_start3A_107 = arith.constant 0 : i32
      %dma_start3A_108 = tpu.memref_slice %dma_start3A_106[%add3A_84, %dma_start3A_107] : memref<2560x128xi32, #tpu.memory_space<hbm>> -> memref<40x128xi32, #tpu.memory_space<hbm>>
      tpu.enqueue_dma source(%dma_start3A_108 : memref<40x128xi32, #tpu.memory_space<hbm>>) target(%arg9 : memref<40x128xi32, #tpu.memory_space<vmem>>) target_semaphore(%run_scoped3A : memref<!tpu.dma_semaphore, #tpu.memory_space<semaphore_mem>>)
      %dma_wait3A = arith.constant 0 : i32
      %dma_wait3A_109 = arith.constant 0 : i32
      %dma_wait3A_110 = tpu.memref_slice %arg4[%add3A_50, %dma_wait3A, %dma_wait3A_109] : memref<4x2560x128xi32, #tpu.memory_space<hbm>> -> memref<1x2560x128xi32, #tpu.memory_space<hbm>>
      %dma_wait3A_111 = tpu.memref_squeeze %dma_wait3A_110 : memref<1x2560x128xi32, #tpu.memory_space<hbm>> -> memref<2560x128xi32, #tpu.memory_space<hbm>>
      %dma_wait3A_112 = arith.constant 0 : i32
      %dma_wait3A_113 = tpu.memref_slice %dma_wait3A_111[%add3A_84, %dma_wait3A_112] : memref<2560x128xi32, #tpu.memory_space<hbm>> -> memref<40x128xi32, #tpu.memory_space<hbm>>
      %dma_wait3A_114 = arith.constant 0 : i32
      %dma_wait3A_115 = arith.constant 0 : i32
      %dma_wait3A_116 = tpu.memref_slice %arg4[%add3A_50, %dma_wait3A_114, %dma_wait3A_115] : memref<4x2560x128xi32, #tpu.memory_space<hbm>> -> memref<1x2560x128xi32, #tpu.memory_space<hbm>>
      %dma_wait3A_117 = tpu.memref_squeeze %dma_wait3A_116 : memref<1x2560x128xi32, #tpu.memory_space<hbm>> -> memref<2560x128xi32, #tpu.memory_space<hbm>>
      %dma_wait3A_118 = arith.constant 0 : i32
      %dma_wait3A_119 = tpu.memref_slice %dma_wait3A_117[%add3A_84, %dma_wait3A_118] : memref<2560x128xi32, #tpu.memory_space<hbm>> -> memref<40x128xi32, #tpu.memory_space<hbm>>
      tpu.wait_dma2 semaphore(%run_scoped3A : memref<!tpu.dma_semaphore, #tpu.memory_space<semaphore_mem>>) src(%dma_wait3A_119 : memref<40x128xi32, #tpu.memory_space<hbm>>) dst(%arg9 : memref<40x128xi32, #tpu.memory_space<vmem>>)
      tpu.yield
    }) : () -> ()
    %scan3A_85 = arith.constant 0 : i32
    %scan3A_86 = arith.constant 20 : i32
    %scan3A_87 = arith.addi %scan3A_85, %scan3A_86 : i32
    %scan3A_88 = arith.constant 1 : i32
    scf.for %scan3A_98 = %scan3A_85 to %scan3A_87 step %scan3A_88  : i32 {
      %mul3A_99 = arith.constant 2 : i32
      %mul3A_100 = arith.muli %scan3A_98, %mul3A_99 : i32
      %add3A_101 = arith.constant 0 : i32
      %add3A_102 = arith.addi %add3A_101, %mul3A_100 : i32
      %dma_start3A = arith.constant 0 : i32
      %dma_start3A_103 = tpu.memref_slice %arg8[%add3A_102, %dma_start3A] : memref<40x128xi32, #tpu.memory_space<vmem>> -> memref<1x128xi32, #tpu.memory_space<vmem>>
      %dma_start3A_104 = tpu.memref_squeeze %dma_start3A_103 : memref<1x128xi32, #tpu.memory_space<vmem>> -> memref<128xi32, #tpu.memory_space<vmem>>
      %dma_start3A_105 = arith.constant 0 : i32
      %dma_start3A_106 = arith.constant 0 : i32
      %dma_start3A_107 = tpu.memref_slice %arg2[%dma_start3A_105, %dma_start3A_106] : memref<30720x128xf32, #tpu.memory_space<hbm>> -> memref<30720x128xf32, #tpu.memory_space<hbm>>
      tpu.enqueue_indirect_dma source(%dma_start3A_107 : memref<30720x128xf32, #tpu.memory_space<hbm>>) target(%arg10 : memref<128x128xf32, #tpu.memory_space<vmem>>) offsets(%dma_start3A_104 : memref<128xi32, #tpu.memory_space<vmem>>) semaphore(%arg12 : memref<!tpu.dma_semaphore, #tpu.memory_space<semaphore_mem>>)
      %add3A_108 = arith.constant 1 : i32
      %add3A_109 = arith.addi %add3A_102, %add3A_108 : i32
      %dma_start3A_110 = arith.constant 0 : i32
      %dma_start3A_111 = tpu.memref_slice %arg8[%add3A_109, %dma_start3A_110] : memref<40x128xi32, #tpu.memory_space<vmem>> -> memref<1x128xi32, #tpu.memory_space<vmem>>
      %dma_start3A_112 = tpu.memref_squeeze %dma_start3A_111 : memref<1x128xi32, #tpu.memory_space<vmem>> -> memref<128xi32, #tpu.memory_space<vmem>>
      %dma_start3A_113 = arith.constant 0 : i32
      %dma_start3A_114 = arith.constant 0 : i32
      %dma_start3A_115 = tpu.memref_slice %arg2[%dma_start3A_113, %dma_start3A_114] : memref<30720x128xf32, #tpu.memory_space<hbm>> -> memref<30720x128xf32, #tpu.memory_space<hbm>>
      tpu.enqueue_indirect_dma source(%dma_start3A_115 : memref<30720x128xf32, #tpu.memory_space<hbm>>) target(%arg11 : memref<128x128xf32, #tpu.memory_space<vmem>>) offsets(%dma_start3A_112 : memref<128xi32, #tpu.memory_space<vmem>>) semaphore(%arg13 : memref<!tpu.dma_semaphore, #tpu.memory_space<semaphore_mem>>)
      %dma_wait3A = arith.constant 0 : i32
      %dma_wait3A_116 = tpu.memref_slice %arg8[%add3A_102, %dma_wait3A] : memref<40x128xi32, #tpu.memory_space<vmem>> -> memref<1x128xi32, #tpu.memory_space<vmem>>
      %dma_wait3A_117 = tpu.memref_squeeze %dma_wait3A_116 : memref<1x128xi32, #tpu.memory_space<vmem>> -> memref<128xi32, #tpu.memory_space<vmem>>
      %dma_wait3A_118 = arith.constant 0 : i32
      %dma_wait3A_119 = arith.constant 0 : i32
      %dma_wait3A_120 = tpu.memref_slice %arg2[%dma_wait3A_118, %dma_wait3A_119] : memref<30720x128xf32, #tpu.memory_space<hbm>> -> memref<30720x128xf32, #tpu.memory_space<hbm>>
      tpu.wait_indirect_dma semaphore(%arg12 : memref<!tpu.dma_semaphore, #tpu.memory_space<semaphore_mem>>) src(%dma_wait3A_120 : memref<30720x128xf32, #tpu.memory_space<hbm>>) dst(%arg10 : memref<128x128xf32, #tpu.memory_space<vmem>>)
      "tpu.region"() ({
        %run_scoped3A = tpu.sem_alloc : memref<!tpu.dma_semaphore, #tpu.memory_space<semaphore_mem>>
        %dma_start3A_129 = arith.constant 0 : i32
        %dma_start3A_130 = tpu.memref_slice %arg9[%add3A_102, %dma_start3A_129] : memref<40x128xi32, #tpu.memory_space<vmem>> -> memref<1x128xi32, #tpu.memory_space<vmem>>
        %dma_start3A_131 = tpu.memref_squeeze %dma_start3A_130 : memref<1x128xi32, #tpu.memory_space<vmem>> -> memref<128xi32, #tpu.memory_space<vmem>>
        %dma_start3A_132 = arith.constant 0 : i32
        %dma_start3A_133 = arith.constant 0 : i32
        %dma_start3A_134 = tpu.memref_slice %arg7[%dma_start3A_132, %dma_start3A_133] : memref<7688x128xf32, #tpu.memory_space<vmem_shared>> -> memref<7688x128xf32, #tpu.memory_space<vmem_shared>>
        tpu.enqueue_indirect_dma source(%arg10 : memref<128x128xf32, #tpu.memory_space<vmem>>) target(%dma_start3A_134 : memref<7688x128xf32, #tpu.memory_space<vmem_shared>>) offsets(%dma_start3A_131 : memref<128xi32, #tpu.memory_space<vmem>>) semaphore(%run_scoped3A : memref<!tpu.dma_semaphore, #tpu.memory_space<semaphore_mem>>) {add = true}
        %dma_wait3A_135 = arith.constant 0 : i32
        %dma_wait3A_136 = tpu.memref_slice %arg9[%add3A_102, %dma_wait3A_135] : memref<40x128xi32, #tpu.memory_space<vmem>> -> memref<1x128xi32, #tpu.memory_space<vmem>>
        %dma_wait3A_137 = tpu.memref_squeeze %dma_wait3A_136 : memref<1x128xi32, #tpu.memory_space<vmem>> -> memref<128xi32, #tpu.memory_space<vmem>>
        %dma_wait3A_138 = arith.constant 0 : i32
        %dma_wait3A_139 = arith.constant 0 : i32
        %dma_wait3A_140 = tpu.memref_slice %arg7[%dma_wait3A_138, %dma_wait3A_139] : memref<7688x128xf32, #tpu.memory_space<vmem_shared>> -> memref<7688x128xf32, #tpu.memory_space<vmem_shared>>
        tpu.wait_indirect_dma semaphore(%run_scoped3A : memref<!tpu.dma_semaphore, #tpu.memory_space<semaphore_mem>>) src(%arg10 : memref<128x128xf32, #tpu.memory_space<vmem>>) dst(%dma_wait3A_140 : memref<7688x128xf32, #tpu.memory_space<vmem_shared>>)
        tpu.yield
      }) : () -> ()
      %dma_wait3A_121 = arith.constant 0 : i32
      %dma_wait3A_122 = tpu.memref_slice %arg8[%add3A_109, %dma_wait3A_121] : memref<40x128xi32, #tpu.memory_space<vmem>> -> memref<1x128xi32, #tpu.memory_space<vmem>>
      %dma_wait3A_123 = tpu.memref_squeeze %dma_wait3A_122 : memref<1x128xi32, #tpu.memory_space<vmem>> -> memref<128xi32, #tpu.memory_space<vmem>>
      %dma_wait3A_124 = arith.constant 0 : i32
      %dma_wait3A_125 = arith.constant 0 : i32
      %dma_wait3A_126 = tpu.memref_slice %arg2[%dma_wait3A_124, %dma_wait3A_125] : memref<30720x128xf32, #tpu.memory_space<hbm>> -> memref<30720x128xf32, #tpu.memory_space<hbm>>
      tpu.wait_indirect_dma semaphore(%arg13 : memref<!tpu.dma_semaphore, #tpu.memory_space<semaphore_mem>>) src(%dma_wait3A_126 : memref<30720x128xf32, #tpu.memory_space<hbm>>) dst(%arg11 : memref<128x128xf32, #tpu.memory_space<vmem>>)
      %add3A_127 = arith.constant 1 : i32
      %add3A_128 = arith.addi %add3A_102, %add3A_127 : i32
      "tpu.region"() ({
        %run_scoped3A = tpu.sem_alloc : memref<!tpu.dma_semaphore, #tpu.memory_space<semaphore_mem>>
        %dma_start3A_129 = arith.constant 0 : i32
        %dma_start3A_130 = tpu.memref_slice %arg9[%add3A_128, %dma_start3A_129] : memref<40x128xi32, #tpu.memory_space<vmem>> -> memref<1x128xi32, #tpu.memory_space<vmem>>
        %dma_start3A_131 = tpu.memref_squeeze %dma_start3A_130 : memref<1x128xi32, #tpu.memory_space<vmem>> -> memref<128xi32, #tpu.memory_space<vmem>>
        %dma_start3A_132 = arith.constant 0 : i32
        %dma_start3A_133 = arith.constant 0 : i32
        %dma_start3A_134 = tpu.memref_slice %arg7[%dma_start3A_132, %dma_start3A_133] : memref<7688x128xf32, #tpu.memory_space<vmem_shared>> -> memref<7688x128xf32, #tpu.memory_space<vmem_shared>>
        tpu.enqueue_indirect_dma source(%arg11 : memref<128x128xf32, #tpu.memory_space<vmem>>) target(%dma_start3A_134 : memref<7688x128xf32, #tpu.memory_space<vmem_shared>>) offsets(%dma_start3A_131 : memref<128xi32, #tpu.memory_space<vmem>>) semaphore(%run_scoped3A : memref<!tpu.dma_semaphore, #tpu.memory_space<semaphore_mem>>) {add = true}
        %dma_wait3A_135 = arith.constant 0 : i32
        %dma_wait3A_136 = tpu.memref_slice %arg9[%add3A_128, %dma_wait3A_135] : memref<40x128xi32, #tpu.memory_space<vmem>> -> memref<1x128xi32, #tpu.memory_space<vmem>>
        %dma_wait3A_137 = tpu.memref_squeeze %dma_wait3A_136 : memref<1x128xi32, #tpu.memory_space<vmem>> -> memref<128xi32, #tpu.memory_space<vmem>>
        %dma_wait3A_138 = arith.constant 0 : i32
        %dma_wait3A_139 = arith.constant 0 : i32
        %dma_wait3A_140 = tpu.memref_slice %arg7[%dma_wait3A_138, %dma_wait3A_139] : memref<7688x128xf32, #tpu.memory_space<vmem_shared>> -> memref<7688x128xf32, #tpu.memory_space<vmem_shared>>
        tpu.wait_indirect_dma semaphore(%run_scoped3A : memref<!tpu.dma_semaphore, #tpu.memory_space<semaphore_mem>>) src(%arg11 : memref<128x128xf32, #tpu.memory_space<vmem>>) dst(%dma_wait3A_140 : memref<7688x128xf32, #tpu.memory_space<vmem_shared>>)
        tpu.yield
      }) : () -> ()
    }
    %scan3A_89 = arith.constant 20 : i32
    %barrier3A_90 = arith.constant 0 : index
    tpu.barrier barrier_id(%barrier3A_90)
    %mul3A_91 = arith.constant 480 : i32
    %mul3A_92 = arith.muli %arg1, %mul3A_91 : i32
    %mul3A_93 = arith.constant 7680 : i32
    %mul3A_94 = arith.muli %add3A_50, %mul3A_93 : i32
    %mul3A_95 = arith.constant 480 : i32
    %mul3A_96 = arith.muli %arg1, %mul3A_95 : i32
    %add3A_97 = arith.addi %mul3A_94, %mul3A_96 : i32
    "tpu.region"() ({
      %run_scoped3A = tpu.sem_alloc : memref<!tpu.dma_semaphore, #tpu.memory_space<semaphore_mem>>
      %dma_start3A = arith.constant 0 : i32
      %dma_start3A_98 = tpu.memref_slice %arg6[%add3A_97, %dma_start3A] : memref<30720x128xf32, #tpu.memory_space<hbm>> -> memref<480x128xf32, #tpu.memory_space<hbm>>
      %dma_start3A_99 = arith.constant 0 : i32
      %dma_start3A_100 = tpu.memref_slice %arg7[%mul3A_92, %dma_start3A_99] : memref<7688x128xf32, #tpu.memory_space<vmem_shared>> -> memref<480x128xf32, #tpu.memory_space<vmem_shared>>
      tpu.enqueue_dma source(%dma_start3A_100 : memref<480x128xf32, #tpu.memory_space<vmem_shared>>) target(%dma_start3A_98 : memref<480x128xf32, #tpu.memory_space<hbm>>) target_semaphore(%run_scoped3A : memref<!tpu.dma_semaphore, #tpu.memory_space<semaphore_mem>>)
      %dma_wait3A = arith.constant 0 : i32
      %dma_wait3A_101 = tpu.memref_slice %arg6[%add3A_97, %dma_wait3A] : memref<30720x128xf32, #tpu.memory_space<hbm>> -> memref<480x128xf32, #tpu.memory_space<hbm>>
      %dma_wait3A_102 = arith.constant 0 : i32
      %dma_wait3A_103 = tpu.memref_slice %arg7[%mul3A_92, %dma_wait3A_102] : memref<7688x128xf32, #tpu.memory_space<vmem_shared>> -> memref<480x128xf32, #tpu.memory_space<vmem_shared>>
      tpu.wait_dma2 semaphore(%run_scoped3A : memref<!tpu.dma_semaphore, #tpu.memory_space<semaphore_mem>>) src(%dma_wait3A_103 : memref<480x128xf32, #tpu.memory_space<vmem_shared>>) dst(%dma_wait3A_101 : memref<480x128xf32, #tpu.memory_space<hbm>>)
      tpu.yield
    }) : () -> ()
    return
  }
}

module attributes {stable_mosaic.version = 14 : i64} {
  func.func @_idx_body(%arg0: memref<2560x128xi32, #tpu.memory_space<vmem>>, %arg1: memref<2560x128xi32, #tpu.memory_space<vmem>>, %arg2: memref<2560x128xi32, #tpu.memory_space<vmem>>, %arg3: memref<2560x128xi32, #tpu.memory_space<vmem>>, %arg4: memref<4x2560x128xi32, #tpu.memory_space<vmem>>) attributes {dimension_semantics = [], scalar_prefetch = 0 : i64, scratch_operands = 0 : i64, tpu.core_type = #tpu.core_type<tc>} {
    %get3A = arith.constant 0 : index
    %get3A_0 = arith.constant 0 : index
    %get3A_1 = vector.load %arg0[%get3A, %get3A_0] : memref<2560x128xi32, #tpu.memory_space<vmem>>, vector<2560x128xi32>
    %get3A_2 = arith.constant 0 : index
    %get3A_3 = arith.constant 0 : index
    %get3A_4 = vector.load %arg1[%get3A_2, %get3A_3] : memref<2560x128xi32, #tpu.memory_space<vmem>>, vector<2560x128xi32>
    %get3A_5 = arith.constant 0 : index
    %get3A_6 = arith.constant 0 : index
    %get3A_7 = vector.load %arg2[%get3A_5, %get3A_6] : memref<2560x128xi32, #tpu.memory_space<vmem>>, vector<2560x128xi32>
    %mul3A = arith.constant 10240 : i32
    %mul3A_8 = vector.broadcast %mul3A : i32 to vector<2560x128xi32>
    %mul3A_9 = arith.muli %get3A_7, %mul3A_8 : vector<2560x128xi32>
    %add3A = arith.addi %mul3A_9, %get3A_1 : vector<2560x128xi32>
    %swap3A = arith.constant 0 : index
    %swap3A_10 = arith.constant 0 : index
    %swap3A_11 = vector.load %arg3[%swap3A, %swap3A_10] : memref<2560x128xi32, #tpu.memory_space<vmem>>, vector<2560x128xi32>
    tpu.vector_store %arg3[%swap3A, %swap3A_10], %add3A {strides = array<i32>} : memref<2560x128xi32, #tpu.memory_space<vmem>>, vector<2560x128xi32>,
    %mul3A_12 = arith.constant 10240 : i32
    %mul3A_13 = vector.broadcast %mul3A_12 : i32 to vector<2560x128xi32>
    %mul3A_14 = arith.muli %get3A_7, %mul3A_13 : vector<2560x128xi32>
    %add3A_15 = arith.addi %mul3A_14, %get3A_4 : vector<2560x128xi32>
    %ge3A = arith.constant 0 : i32
    %ge3A_16 = vector.broadcast %ge3A : i32 to vector<2560x128xi32>
    %ge3A_17 = arith.cmpi sge, %add3A_15, %ge3A_16 : vector<2560x128xi32>
    %lt3A = arith.constant 7680 : i32
    %lt3A_18 = vector.broadcast %lt3A : i32 to vector<2560x128xi32>
    %lt3A_19 = arith.cmpi slt, %add3A_15, %lt3A_18 : vector<2560x128xi32>
    %and3A = arith.andi %ge3A_17, %lt3A_19 : vector<2560x128xi1>
    %sub3A = arith.constant 0 : i32
    %sub3A_20 = vector.broadcast %sub3A : i32 to vector<2560x128xi32>
    %sub3A_21 = arith.subi %add3A_15, %sub3A_20 : vector<2560x128xi32>
    %jit3A = arith.constant 7680 : i32
    %broadcast_in_dim3A = vector.broadcast %jit3A : i32 to vector<2560x128xi32>
    %select_n3A = arith.select %and3A, %sub3A_21, %broadcast_in_dim3A : vector<2560x128xi1>, vector<2560x128xi32>
    %swap3A_22 = arith.constant 0 : index
    %swap3A_23 = arith.constant 0 : index
    %swap3A_24 = arith.constant 0 : index
    %swap3A_25 = vector.load %arg4[%swap3A_22, %swap3A_23, %swap3A_24] : memref<4x2560x128xi32, #tpu.memory_space<vmem>>, vector<1x2560x128xi32>
    %swap3A_26 = vector.shape_cast %swap3A_25 : vector<1x2560x128xi32> to vector<2560x128xi32>
    %swap3A_27 = vector.shape_cast %select_n3A : vector<2560x128xi32> to vector<1x2560x128xi32>
    tpu.vector_store %arg4[%swap3A_22, %swap3A_23, %swap3A_24], %swap3A_27 {strides = array<i32>} : memref<4x2560x128xi32, #tpu.memory_space<vmem>>, vector<1x2560x128xi32>,
    %ge3A_28 = arith.constant 7680 : i32
    %ge3A_29 = vector.broadcast %ge3A_28 : i32 to vector<2560x128xi32>
    %ge3A_30 = arith.cmpi sge, %add3A_15, %ge3A_29 : vector<2560x128xi32>
    %lt3A_31 = arith.constant 15360 : i32
    %lt3A_32 = vector.broadcast %lt3A_31 : i32 to vector<2560x128xi32>
    %lt3A_33 = arith.cmpi slt, %add3A_15, %lt3A_32 : vector<2560x128xi32>
    %and3A_34 = arith.andi %ge3A_30, %lt3A_33 : vector<2560x128xi1>
    %sub3A_35 = arith.constant 7680 : i32
    %sub3A_36 = vector.broadcast %sub3A_35 : i32 to vector<2560x128xi32>
    %sub3A_37 = arith.subi %add3A_15, %sub3A_36 : vector<2560x128xi32>
    %jit3A_38 = arith.constant 7680 : i32
    %broadcast_in_dim3A_39 = vector.broadcast %jit3A_38 : i32 to vector<2560x128xi32>
    %select_n3A_40 = arith.select %and3A_34, %sub3A_37, %broadcast_in_dim3A_39 : vector<2560x128xi1>, vector<2560x128xi32>
    %swap3A_41 = arith.constant 1 : index
    %swap3A_42 = arith.constant 0 : index
    %swap3A_43 = arith.constant 0 : index
    %swap3A_44 = vector.load %arg4[%swap3A_41, %swap3A_42, %swap3A_43] : memref<4x2560x128xi32, #tpu.memory_space<vmem>>, vector<1x2560x128xi32>
    %swap3A_45 = vector.shape_cast %swap3A_44 : vector<1x2560x128xi32> to vector<2560x128xi32>
    %swap3A_46 = vector.shape_cast %select_n3A_40 : vector<2560x128xi32> to vector<1x2560x128xi32>
    tpu.vector_store %arg4[%swap3A_41, %swap3A_42, %swap3A_43], %swap3A_46 {strides = array<i32>} : memref<4x2560x128xi32, #tpu.memory_space<vmem>>, vector<1x2560x128xi32>,
    %ge3A_47 = arith.constant 15360 : i32
    %ge3A_48 = vector.broadcast %ge3A_47 : i32 to vector<2560x128xi32>
    %ge3A_49 = arith.cmpi sge, %add3A_15, %ge3A_48 : vector<2560x128xi32>
    %lt3A_50 = arith.constant 23040 : i32
    %lt3A_51 = vector.broadcast %lt3A_50 : i32 to vector<2560x128xi32>
    %lt3A_52 = arith.cmpi slt, %add3A_15, %lt3A_51 : vector<2560x128xi32>
    %and3A_53 = arith.andi %ge3A_49, %lt3A_52 : vector<2560x128xi1>
    %sub3A_54 = arith.constant 15360 : i32
    %sub3A_55 = vector.broadcast %sub3A_54 : i32 to vector<2560x128xi32>
    %sub3A_56 = arith.subi %add3A_15, %sub3A_55 : vector<2560x128xi32>
    %jit3A_57 = arith.constant 7680 : i32
    %broadcast_in_dim3A_58 = vector.broadcast %jit3A_57 : i32 to vector<2560x128xi32>
    %select_n3A_59 = arith.select %and3A_53, %sub3A_56, %broadcast_in_dim3A_58 : vector<2560x128xi1>, vector<2560x128xi32>
    %swap3A_60 = arith.constant 2 : index
    %swap3A_61 = arith.constant 0 : index
    %swap3A_62 = arith.constant 0 : index
    %swap3A_63 = vector.load %arg4[%swap3A_60, %swap3A_61, %swap3A_62] : memref<4x2560x128xi32, #tpu.memory_space<vmem>>, vector<1x2560x128xi32>
    %swap3A_64 = vector.shape_cast %swap3A_63 : vector<1x2560x128xi32> to vector<2560x128xi32>
    %swap3A_65 = vector.shape_cast %select_n3A_59 : vector<2560x128xi32> to vector<1x2560x128xi32>
    tpu.vector_store %arg4[%swap3A_60, %swap3A_61, %swap3A_62], %swap3A_65 {strides = array<i32>} : memref<4x2560x128xi32, #tpu.memory_space<vmem>>, vector<1x2560x128xi32>,
    %ge3A_66 = arith.constant 23040 : i32
    %ge3A_67 = vector.broadcast %ge3A_66 : i32 to vector<2560x128xi32>
    %ge3A_68 = arith.cmpi sge, %add3A_15, %ge3A_67 : vector<2560x128xi32>
    %lt3A_69 = arith.constant 30720 : i32
    %lt3A_70 = vector.broadcast %lt3A_69 : i32 to vector<2560x128xi32>
    %lt3A_71 = arith.cmpi slt, %add3A_15, %lt3A_70 : vector<2560x128xi32>
    %and3A_72 = arith.andi %ge3A_68, %lt3A_71 : vector<2560x128xi1>
    %sub3A_73 = arith.constant 23040 : i32
    %sub3A_74 = vector.broadcast %sub3A_73 : i32 to vector<2560x128xi32>
    %sub3A_75 = arith.subi %add3A_15, %sub3A_74 : vector<2560x128xi32>
    %jit3A_76 = arith.constant 7680 : i32
    %broadcast_in_dim3A_77 = vector.broadcast %jit3A_76 : i32 to vector<2560x128xi32>
    %select_n3A_78 = arith.select %and3A_72, %sub3A_75, %broadcast_in_dim3A_77 : vector<2560x128xi1>, vector<2560x128xi32>
    %swap3A_79 = arith.constant 3 : index
    %swap3A_80 = arith.constant 0 : index
    %swap3A_81 = arith.constant 0 : index
    %swap3A_82 = vector.load %arg4[%swap3A_79, %swap3A_80, %swap3A_81] : memref<4x2560x128xi32, #tpu.memory_space<vmem>>, vector<1x2560x128xi32>
    %swap3A_83 = vector.shape_cast %swap3A_82 : vector<1x2560x128xi32> to vector<2560x128xi32>
    %swap3A_84 = vector.shape_cast %select_n3A_78 : vector<2560x128xi32> to vector<1x2560x128xi32>
    tpu.vector_store %arg4[%swap3A_79, %swap3A_80, %swap3A_81], %swap3A_84 {strides = array<i32>} : memref<4x2560x128xi32, #tpu.memory_space<vmem>>, vector<1x2560x128xi32>,
    return
  }
}

module attributes {stable_mosaic.version = 14 : i64} {
  func.func @_edge_mlp_body(%arg0: i32, %arg1: i32, %arg2: memref<1024x128xf32, #tpu.memory_space<vmem>>, %arg3: memref<1x128x128xf32, #tpu.memory_space<vmem>>, %arg4: memref<1x1x128xf32, #tpu.memory_space<vmem>>, %arg5: memref<1x128x128xf32, #tpu.memory_space<vmem>>, %arg6: memref<1x1x128xf32, #tpu.memory_space<vmem>>, %arg7: memref<1024x128xf32, #tpu.memory_space<vmem>>) attributes {dimension_semantics = [#tpu.dimension_semantics<arbitrary>, #tpu.dimension_semantics<arbitrary>], iteration_bounds = array<i64: 3, 10>, scalar_prefetch = 0 : i64, scratch_operands = 0 : i64, tpu.core_type = #tpu.core_type<tc>, window_params = [{transform_indices = @transform_0, window_bounds = array<i64: 1024, 128>}, {transform_indices = @transform_1, window_bounds = array<i64: 1, 128, 128>}, {transform_indices = @transform_2, window_bounds = array<i64: 1, 1, 128>}, {transform_indices = @transform_3, window_bounds = array<i64: 1, 128, 128>}, {transform_indices = @transform_4, window_bounds = array<i64: 1, 1, 128>}, {transform_indices = @transform_5, window_bounds = array<i64: 1024, 128>}]} {
    %get3A = arith.constant 0 : index
    %get3A_0 = arith.constant 0 : index
    %get3A_1 = vector.load %arg2[%get3A, %get3A_0] : memref<1024x128xf32, #tpu.memory_space<vmem>>, vector<1024x128xf32>
    %get3A_2 = arith.constant 0 : index
    %get3A_3 = arith.constant 0 : index
    %get3A_4 = arith.constant 0 : index
    %get3A_5 = vector.load %arg3[%get3A_2, %get3A_3, %get3A_4] : memref<1x128x128xf32, #tpu.memory_space<vmem>>, vector<1x128x128xf32>
    %get3A_6 = vector.shape_cast %get3A_5 : vector<1x128x128xf32> to vector<128x128xf32>
    %dot_general3A = arith.constant dense<0.000000e+00> : vector<1024x128xf32>
    %dot_general3A_7 = tpu.matmul %get3A_1, %get3A_6, %dot_general3A {dimension_numbers = #tpu.dot_dimension_numbers<[1], [0], [0], [1], [0, 0, 1, 1], [], []>, transpose_lhs_hint = false} : vector<1024x128xf32>, vector<128x128xf32>, vector<1024x128xf32> -> vector<1024x128xf32>
    %get3A_8 = arith.constant 0 : index
    %get3A_9 = arith.constant 0 : index
    %get3A_10 = arith.constant 0 : index
    %get3A_11 = vector.load %arg4[%get3A_8, %get3A_9, %get3A_10] : memref<1x1x128xf32, #tpu.memory_space<vmem>>, vector<1x1x128xf32>
    %get3A_12 = vector.shape_cast %get3A_11 : vector<1x1x128xf32> to vector<1x128xf32>
    %add3A = vector.broadcast %get3A_12 : vector<1x128xf32> to vector<1024x128xf32>
    %add3A_13 = arith.addf %dot_general3A_7, %add3A : vector<1024x128xf32>
    %max3A = arith.constant 0.000000e+00 : f32
    %max3A_14 = vector.broadcast %max3A : f32 to vector<1024x128xf32>
    %max3A_15 = arith.maximumf %add3A_13, %max3A_14 : vector<1024x128xf32>
    %get3A_16 = arith.constant 0 : index
    %get3A_17 = arith.constant 0 : index
    %get3A_18 = arith.constant 0 : index
    %get3A_19 = vector.load %arg5[%get3A_16, %get3A_17, %get3A_18] : memref<1x128x128xf32, #tpu.memory_space<vmem>>, vector<1x128x128xf32>
    %get3A_20 = vector.shape_cast %get3A_19 : vector<1x128x128xf32> to vector<128x128xf32>
    %dot_general3A_21 = arith.constant dense<0.000000e+00> : vector<1024x128xf32>
    %dot_general3A_22 = tpu.matmul %max3A_15, %get3A_20, %dot_general3A_21 {dimension_numbers = #tpu.dot_dimension_numbers<[1], [0], [0], [1], [0, 0, 1, 1], [], []>, transpose_lhs_hint = false} : vector<1024x128xf32>, vector<128x128xf32>, vector<1024x128xf32> -> vector<1024x128xf32>
    %get3A_23 = arith.constant 0 : index
    %get3A_24 = arith.constant 0 : index
    %get3A_25 = arith.constant 0 : index
    %get3A_26 = vector.load %arg6[%get3A_23, %get3A_24, %get3A_25] : memref<1x1x128xf32, #tpu.memory_space<vmem>>, vector<1x1x128xf32>
    %get3A_27 = vector.shape_cast %get3A_26 : vector<1x1x128xf32> to vector<1x128xf32>
    %add3A_28 = vector.broadcast %get3A_27 : vector<1x128xf32> to vector<1024x128xf32>
    %add3A_29 = arith.addf %dot_general3A_22, %add3A_28 : vector<1024x128xf32>
    %max3A_30 = arith.constant 0.000000e+00 : f32
    %max3A_31 = vector.broadcast %max3A_30 : f32 to vector<1024x128xf32>
    %max3A_32 = arith.maximumf %add3A_29, %max3A_31 : vector<1024x128xf32>
    %swap3A = arith.constant 0 : index
    %swap3A_33 = arith.constant 0 : index
    %swap3A_34 = vector.load %arg7[%swap3A, %swap3A_33] : memref<1024x128xf32, #tpu.memory_space<vmem>>, vector<1024x128xf32>
    tpu.vector_store %arg7[%swap3A, %swap3A_33], %max3A_32 {strides = array<i32>} : memref<1024x128xf32, #tpu.memory_space<vmem>>, vector<1024x128xf32>,
    return
  }
  func.func @transform_0(%arg0: i32, %arg1: i32) -> (i32, i32) {
    %c0_i32 = arith.constant 0 : i32
    %c0_i32_0 = arith.constant 0 : i32
    return %arg1, %c0_i32 : i32, i32
  }
  func.func @transform_1(%arg0: i32, %arg1: i32) -> (i32, i32, i32) {
    %c0_i32 = arith.constant 0 : i32
    %c0_i32_0 = arith.constant 0 : i32
    %c0_i32_1 = arith.constant 0 : i32
    return %arg0, %c0_i32, %c0_i32_0 : i32, i32, i32
  }
  func.func @transform_2(%arg0: i32, %arg1: i32) -> (i32, i32, i32) {
    %c0_i32 = arith.constant 0 : i32
    %c0_i32_0 = arith.constant 0 : i32
    %c0_i32_1 = arith.constant 0 : i32
    return %arg0, %c0_i32, %c0_i32_0 : i32, i32, i32
  }
  func.func @transform_3(%arg0: i32, %arg1: i32) -> (i32, i32, i32) {
    %c0_i32 = arith.constant 0 : i32
    %c0_i32_0 = arith.constant 0 : i32
    %c0_i32_1 = arith.constant 0 : i32
    return %arg0, %c0_i32, %c0_i32_0 : i32, i32, i32
  }
  func.func @transform_4(%arg0: i32, %arg1: i32) -> (i32, i32, i32) {
    %c0_i32 = arith.constant 0 : i32
    %c0_i32_0 = arith.constant 0 : i32
    %c0_i32_1 = arith.constant 0 : i32
    return %arg0, %c0_i32, %c0_i32_0 : i32, i32, i32
  }
  func.func @transform_5(%arg0: i32, %arg1: i32) -> (i32, i32) {
    %mul3A = arith.constant 10 : i32
    %mul3A_0 = arith.muli %arg0, %mul3A : i32
    %add3A = arith.addi %mul3A_0, %arg1 : i32
    %c0_i32 = arith.constant 0 : i32
    %c0_i32_1 = arith.constant 0 : i32
    return %add3A, %c0_i32 : i32, i32
  }
}

module attributes {stable_mosaic.version = 14 : i64} {
  func.func @_node_mlp_body(%arg0: i32, %arg1: memref<1024x128xf32, #tpu.memory_space<vmem>>, %arg2: memref<1024x128xf32, #tpu.memory_space<vmem>>, %arg3: memref<1024x128xf32, #tpu.memory_space<vmem>>, %arg4: memref<1024x128xf32, #tpu.memory_space<vmem>>, %arg5: memref<1024x1xf32, #tpu.memory_space<vmem>>, %arg6: memref<2x512x128xf32, #tpu.memory_space<vmem>>, %arg7: memref<2x1x128xf32, #tpu.memory_space<vmem>>, %arg8: memref<2x128x128xf32, #tpu.memory_space<vmem>>, %arg9: memref<2x1x128xf32, #tpu.memory_space<vmem>>, %arg10: memref<1024x128xf32, #tpu.memory_space<vmem>>) attributes {dimension_semantics = [#tpu.dimension_semantics<arbitrary>], iteration_bounds = array<i64: 10>, scalar_prefetch = 0 : i64, scratch_operands = 0 : i64, tpu.core_type = #tpu.core_type<tc>, window_params = [{transform_indices = @transform_0, window_bounds = array<i64: 1024, 128>}, {transform_indices = @transform_1, window_bounds = array<i64: 1024, 128>}, {transform_indices = @transform_2, window_bounds = array<i64: 1024, 128>}, {transform_indices = @transform_3, window_bounds = array<i64: 1024, 128>}, {transform_indices = @transform_4, window_bounds = array<i64: 1024, 1>}, {pipeline_mode = #tpu.pipeline_mode<synchronous>, transform_indices = @transform_5, window_bounds = array<i64: 2, 512, 128>}, {pipeline_mode = #tpu.pipeline_mode<synchronous>, transform_indices = @transform_6, window_bounds = array<i64: 2, 1, 128>}, {pipeline_mode = #tpu.pipeline_mode<synchronous>, transform_indices = @transform_7, window_bounds = array<i64: 2, 128, 128>}, {pipeline_mode = #tpu.pipeline_mode<synchronous>, transform_indices = @transform_8, window_bounds = array<i64: 2, 1, 128>}, {transform_indices = @transform_9, window_bounds = array<i64: 1024, 128>}]} {
    %get3A = arith.constant 0 : index
    %get3A_0 = arith.constant 0 : index
    %get3A_1 = vector.load %arg1[%get3A, %get3A_0] : memref<1024x128xf32, #tpu.memory_space<vmem>>, vector<1024x128xf32>
    %max3A = arith.constant 0.000000e+00 : f32
    %max3A_2 = vector.broadcast %max3A : f32 to vector<1024x128xf32>
    %max3A_3 = arith.maximumf %get3A_1, %max3A_2 : vector<1024x128xf32>
    %get3A_4 = arith.constant 0 : index
    %get3A_5 = arith.constant 0 : index
    %get3A_6 = vector.load %arg2[%get3A_4, %get3A_5] : memref<1024x128xf32, #tpu.memory_space<vmem>>, vector<1024x128xf32>
    %get3A_7 = arith.constant 0 : index
    %get3A_8 = arith.constant 0 : index
    %get3A_9 = vector.load %arg3[%get3A_7, %get3A_8] : memref<1024x128xf32, #tpu.memory_space<vmem>>, vector<1024x128xf32>
    %get3A_10 = arith.constant 0 : index
    %get3A_11 = arith.constant 0 : index
    %get3A_12 = vector.load %arg4[%get3A_10, %get3A_11] : memref<1024x128xf32, #tpu.memory_space<vmem>>, vector<1024x128xf32>
    %concatenate3A = tpu.concatenate %max3A_3, %get3A_6, %get3A_9, %get3A_12 in 1 : vector<1024x128xf32>, vector<1024x128xf32>, vector<1024x128xf32>, vector<1024x128xf32> -> vector<1024x512xf32>
    %get3A_13 = arith.constant 0 : index
    %get3A_14 = arith.constant 0 : index
    %get3A_15 = arith.constant 0 : index
    %get3A_16 = vector.load %arg6[%get3A_13, %get3A_14, %get3A_15] : memref<2x512x128xf32, #tpu.memory_space<vmem>>, vector<1x512x128xf32>
    %get3A_17 = vector.shape_cast %get3A_16 : vector<1x512x128xf32> to vector<512x128xf32>
    %dot_general3A = arith.constant dense<0.000000e+00> : vector<1024x128xf32>
    %dot_general3A_18 = tpu.matmul %concatenate3A, %get3A_17, %dot_general3A {dimension_numbers = #tpu.dot_dimension_numbers<[1], [0], [0], [1], [0, 0, 1, 1], [], []>, transpose_lhs_hint = false} : vector<1024x512xf32>, vector<512x128xf32>, vector<1024x128xf32> -> vector<1024x128xf32>
    %get3A_19 = arith.constant 0 : index
    %get3A_20 = arith.constant 0 : index
    %get3A_21 = arith.constant 0 : index
    %get3A_22 = vector.load %arg7[%get3A_19, %get3A_20, %get3A_21] : memref<2x1x128xf32, #tpu.memory_space<vmem>>, vector<1x1x128xf32>
    %get3A_23 = vector.shape_cast %get3A_22 : vector<1x1x128xf32> to vector<1x128xf32>
    %add3A = vector.broadcast %get3A_23 : vector<1x128xf32> to vector<1024x128xf32>
    %add3A_24 = arith.addf %dot_general3A_18, %add3A : vector<1024x128xf32>
    %max3A_25 = arith.constant 0.000000e+00 : f32
    %max3A_26 = vector.broadcast %max3A_25 : f32 to vector<1024x128xf32>
    %max3A_27 = arith.maximumf %add3A_24, %max3A_26 : vector<1024x128xf32>
    %get3A_28 = arith.constant 0 : index
    %get3A_29 = arith.constant 0 : index
    %get3A_30 = arith.constant 0 : index
    %get3A_31 = vector.load %arg8[%get3A_28, %get3A_29, %get3A_30] : memref<2x128x128xf32, #tpu.memory_space<vmem>>, vector<1x128x128xf32>
    %get3A_32 = vector.shape_cast %get3A_31 : vector<1x128x128xf32> to vector<128x128xf32>
    %dot_general3A_33 = arith.constant dense<0.000000e+00> : vector<1024x128xf32>
    %dot_general3A_34 = tpu.matmul %max3A_27, %get3A_32, %dot_general3A_33 {dimension_numbers = #tpu.dot_dimension_numbers<[1], [0], [0], [1], [0, 0, 1, 1], [], []>, transpose_lhs_hint = false} : vector<1024x128xf32>, vector<128x128xf32>, vector<1024x128xf32> -> vector<1024x128xf32>
    %get3A_35 = arith.constant 0 : index
    %get3A_36 = arith.constant 0 : index
    %get3A_37 = arith.constant 0 : index
    %get3A_38 = vector.load %arg9[%get3A_35, %get3A_36, %get3A_37] : memref<2x1x128xf32, #tpu.memory_space<vmem>>, vector<1x1x128xf32>
    %get3A_39 = vector.shape_cast %get3A_38 : vector<1x1x128xf32> to vector<1x128xf32>
    %add3A_40 = vector.broadcast %get3A_39 : vector<1x128xf32> to vector<1024x128xf32>
    %add3A_41 = arith.addf %dot_general3A_34, %add3A_40 : vector<1024x128xf32>
    %get3A_42 = arith.constant 1 : index
    %get3A_43 = arith.constant 0 : index
    %get3A_44 = arith.constant 0 : index
    %get3A_45 = vector.load %arg6[%get3A_42, %get3A_43, %get3A_44] : memref<2x512x128xf32, #tpu.memory_space<vmem>>, vector<1x512x128xf32>
    %get3A_46 = vector.shape_cast %get3A_45 : vector<1x512x128xf32> to vector<512x128xf32>
    %dot_general3A_47 = arith.constant dense<0.000000e+00> : vector<1024x128xf32>
    %dot_general3A_48 = tpu.matmul %concatenate3A, %get3A_46, %dot_general3A_47 {dimension_numbers = #tpu.dot_dimension_numbers<[1], [0], [0], [1], [0, 0, 1, 1], [], []>, transpose_lhs_hint = false} : vector<1024x512xf32>, vector<512x128xf32>, vector<1024x128xf32> -> vector<1024x128xf32>
    %get3A_49 = arith.constant 1 : index
    %get3A_50 = arith.constant 0 : index
    %get3A_51 = arith.constant 0 : index
    %get3A_52 = vector.load %arg7[%get3A_49, %get3A_50, %get3A_51] : memref<2x1x128xf32, #tpu.memory_space<vmem>>, vector<1x1x128xf32>
    %get3A_53 = vector.shape_cast %get3A_52 : vector<1x1x128xf32> to vector<1x128xf32>
    %add3A_54 = vector.broadcast %get3A_53 : vector<1x128xf32> to vector<1024x128xf32>
    %add3A_55 = arith.addf %dot_general3A_48, %add3A_54 : vector<1024x128xf32>
    %max3A_56 = arith.constant 0.000000e+00 : f32
    %max3A_57 = vector.broadcast %max3A_56 : f32 to vector<1024x128xf32>
    %max3A_58 = arith.maximumf %add3A_55, %max3A_57 : vector<1024x128xf32>
    %get3A_59 = arith.constant 1 : index
    %get3A_60 = arith.constant 0 : index
    %get3A_61 = arith.constant 0 : index
    %get3A_62 = vector.load %arg8[%get3A_59, %get3A_60, %get3A_61] : memref<2x128x128xf32, #tpu.memory_space<vmem>>, vector<1x128x128xf32>
    %get3A_63 = vector.shape_cast %get3A_62 : vector<1x128x128xf32> to vector<128x128xf32>
    %dot_general3A_64 = arith.constant dense<0.000000e+00> : vector<1024x128xf32>
    %dot_general3A_65 = tpu.matmul %max3A_58, %get3A_63, %dot_general3A_64 {dimension_numbers = #tpu.dot_dimension_numbers<[1], [0], [0], [1], [0, 0, 1, 1], [], []>, transpose_lhs_hint = false} : vector<1024x128xf32>, vector<128x128xf32>, vector<1024x128xf32> -> vector<1024x128xf32>
    %get3A_66 = arith.constant 1 : index
    %get3A_67 = arith.constant 0 : index
    %get3A_68 = arith.constant 0 : index
    %get3A_69 = vector.load %arg9[%get3A_66, %get3A_67, %get3A_68] : memref<2x1x128xf32, #tpu.memory_space<vmem>>, vector<1x1x128xf32>
    %get3A_70 = vector.shape_cast %get3A_69 : vector<1x1x128xf32> to vector<1x128xf32>
    %add3A_71 = vector.broadcast %get3A_70 : vector<1x128xf32> to vector<1024x128xf32>
    %add3A_72 = arith.addf %dot_general3A_65, %add3A_71 : vector<1024x128xf32>
    %get3A_73 = arith.constant 0 : index
    %get3A_74 = arith.constant 0 : index
    %get3A_75 = vector.load %arg5[%get3A_73, %get3A_74] : memref<1024x1xf32, #tpu.memory_space<vmem>>, vector<1024x1xf32>
    %eq3A = arith.constant 0.000000e+00 : f32
    %eq3A_76 = vector.broadcast %eq3A : f32 to vector<1024x1xf32>
    %eq3A_77 = arith.cmpf oeq, %get3A_75, %eq3A_76 : vector<1024x1xf32>
    %broadcast_in_dim3A = vector.shape_cast %eq3A_77 : vector<1024x1xi1> to vector<1024x1xi1>
    %broadcast_in_dim3A_78 = vector.broadcast %broadcast_in_dim3A : vector<1024x1xi1> to vector<1024x128xi1>
    %select_n3A = arith.select %broadcast_in_dim3A_78, %add3A_41, %add3A_72 : vector<1024x128xi1>, vector<1024x128xf32>
    %add3A_79 = arith.addf %select_n3A, %get3A_1 : vector<1024x128xf32>
    %swap3A = arith.constant 0 : index
    %swap3A_80 = arith.constant 0 : index
    %swap3A_81 = vector.load %arg10[%swap3A, %swap3A_80] : memref<1024x128xf32, #tpu.memory_space<vmem>>, vector<1024x128xf32>
    tpu.vector_store %arg10[%swap3A, %swap3A_80], %add3A_79 {strides = array<i32>} : memref<1024x128xf32, #tpu.memory_space<vmem>>, vector<1024x128xf32>,
    return
  }
  func.func @transform_0(%arg0: i32) -> (i32, i32) {
    %c0_i32 = arith.constant 0 : i32
    %c0_i32_0 = arith.constant 0 : i32
    return %arg0, %c0_i32 : i32, i32
  }
  func.func @transform_1(%arg0: i32) -> (i32, i32) {
    %c0_i32 = arith.constant 0 : i32
    %c0_i32_0 = arith.constant 0 : i32
    return %arg0, %c0_i32 : i32, i32
  }
  func.func @transform_2(%arg0: i32) -> (i32, i32) {
    %add3A = arith.constant 10 : i32
    %add3A_0 = arith.addi %add3A, %arg0 : i32
    %c0_i32 = arith.constant 0 : i32
    %c0_i32_1 = arith.constant 0 : i32
    return %add3A_0, %c0_i32 : i32, i32
  }
  func.func @transform_3(%arg0: i32) -> (i32, i32) {
    %add3A = arith.constant 20 : i32
    %add3A_0 = arith.addi %add3A, %arg0 : i32
    %c0_i32 = arith.constant 0 : i32
    %c0_i32_1 = arith.constant 0 : i32
    return %add3A_0, %c0_i32 : i32, i32
  }
  func.func @transform_4(%arg0: i32) -> (i32, i32) {
    %c0_i32 = arith.constant 0 : i32
    %c0_i32_0 = arith.constant 0 : i32
    return %arg0, %c0_i32 : i32, i32
  }
  func.func @transform_5(%arg0: i32) -> (i32, i32, i32) {
    %c0_i32 = arith.constant 0 : i32
    %c0_i32_0 = arith.constant 0 : i32
    %c0_i32_1 = arith.constant 0 : i32
    %c0_i32_2 = arith.constant 0 : i32
    return %c0_i32, %c0_i32_0, %c0_i32_1 : i32, i32, i32
  }
  func.func @transform_6(%arg0: i32) -> (i32, i32, i32) {
    %c0_i32 = arith.constant 0 : i32
    %c0_i32_0 = arith.constant 0 : i32
    %c0_i32_1 = arith.constant 0 : i32
    %c0_i32_2 = arith.constant 0 : i32
    return %c0_i32, %c0_i32_0, %c0_i32_1 : i32, i32, i32
  }
  func.func @transform_7(%arg0: i32) -> (i32, i32, i32) {
    %c0_i32 = arith.constant 0 : i32
    %c0_i32_0 = arith.constant 0 : i32
    %c0_i32_1 = arith.constant 0 : i32
    %c0_i32_2 = arith.constant 0 : i32
    return %c0_i32, %c0_i32_0, %c0_i32_1 : i32, i32, i32
  }
  func.func @transform_8(%arg0: i32) -> (i32, i32, i32) {
    %c0_i32 = arith.constant 0 : i32
    %c0_i32_0 = arith.constant 0 : i32
    %c0_i32_1 = arith.constant 0 : i32
    %c0_i32_2 = arith.constant 0 : i32
    return %c0_i32, %c0_i32_0, %c0_i32_1 : i32, i32, i32
  }
  func.func @transform_9(%arg0: i32) -> (i32, i32) {
    %c0_i32 = arith.constant 0 : i32
    %c0_i32_0 = arith.constant 0 : i32
    return %arg0, %c0_i32 : i32, i32
  }
}

</mosaic_0001>

<sc_bundles>
// kernel: kernel.6.cloned.1.call-start
scs
__scs_entry_jumppad:
0x0: {  	(pc) =	sbr.rel $0x88, $3  }
0x1: {  	(tag) =	ssettag $0x0;
	lr =	simm.s32 $0x1  }
0x2: {  	[smem:$0x3F89] =	sst lr;
	_ =	strace $0xD0000000  }
0x3: {  	_ = 	snop  }
0x4: {  	_ = 	snop  }
0x5: {  	_ = 	snop  }
0x6: {  	_ = 	snop  }
0x7: {  	_ = 	snop  }
__scs_overlays_trampoline_lowered:
0x8: {  	[smem:$0x3F98] =	sst s0  }
0x9: {  	[smem:$0x3F99] =	sst s1  }
0xa: {  	[smem:$0x3F9A] =	sst s2  }
0xb: {  	[smem:$0x3F9B] =	sst s3  }
0xc: {  	[smem:$0x3F9C] =	sst s4  }
0xd: {  	[smem:$0x3F9D] =	sst s5  }
0xe: {  	[smem:$0x3F9E] =	sst s6  }
0xf: {  	[smem:$0x3F9F] =	sst s7  }
0x10: {  	[smem:$0x3FA0] =	sst s8  }
0x11: {  	[smem:$0x3FA1] =	sst s9;
	s0 =	simm.s32 @!p0 $0x0  }
0x12: {  	s1 =	sld [smem:$0x3F87];
	s0 =	simm.s32 @p0 $0x1  }
0x13: {  	[smem:$0x3FA2] =	sst s0;
	s0 =	simm.s32 @!p1 $0x0  }
0x14: {  	s2 =	sld [smem:$0x3F86];
	s0 =	simm.s32 @p1 $0x1  }
0x15: {  	[smem:$0x3FA3] =	sst s0;
	s0 =	simm.s32 @!p2 $0x0  }
0x16: {  	s3 =	sld [smem:$0x3FDB];
	s0 =	simm.s32 @p2 $0x1  }
0x17: {  	s4 =	simm.s32 $0x1BF5;
	[smem:$0x3FA5] =	sst s0  }
0x18: {  	s0 =	sld [smem:$0x3F88];
	_ =	swait.ge [sflag:s4], $0x0  }
0x19: {  	s7 =	sld [smem:$0x3F89]  }
0x1a: {  	s8 =	sadd.s32 $0xFFFFE003, lr  }
0x1b: {  	s9 =	sadd.s32 $0xFFFFFEF7, lr;
	s5 =	simm.s32 $0xFFFFFFFF;
	p2 =	slt.u32 s8, $0xFFFFF086  }
0x1c: {  	p1 =	slt.u32 s9, $0xF7A;
	s5 =	simm.s32 @!p2 $0x0  }
0x1d: {  	s5 =	simm.s32 @p1 $0x1;
	p0 =	seq.s32 s7, s2  }
0x1e: {  	s7 =	smul.u32 @!p0 $0xF7A, s2;
	p2 =	seq.s32 @!p0 s5, $0x0  }
0x1f: {  	s9 =	smul.u32 $0xF7A, s1;
	s8 =	simm.s32 @!p0 $0x1BF5;
	p2 =	por !p2, p0  }
0x20: {  	[sflag:s8] =	ssyncset.s32 @!p0 $0xFFFFF086;
	s6 =	sadd.s32 @!p0 s3, s7;
	s7 =	simm.s32 @!p0 $0x108  }
0x21: {  	s3 =	sadd.s32 s3, s9;
	s6 =	sadd.s32 @!p0 $0x88, s6;
	s7 =	simm.s32 @p2 $0x1082  }
0x22: {  	[simem:s7], [sflag:s8] =	dma.local @!p0 [hbm:s6], $0xF7A  }
0x23: {  	s9 =	sor.u32 $0xD0000000, s2;
	s6 =	simm.s32 $0x108;
	_ =	swait.ge @!p0 [sflag:s8], $0x0  }
0x24: {  	s3 =	sadd.s32 $0x88, s3;
	s6 =	simm.s32 @!p1 $0x1082;
	[sflag:s4] =	ssyncset.s32 $0xFFFFF086  }
0x25: {  	[simem:s6], [sflag:s4] =	dma.local [hbm:s3], $0xF7A  }
0x26: {  	[smem:$0x3F89] =	sst s1;
	(tag) =	ssettag s2;
	_ =	strace s9  }
0x27: {  	s1 =	sld [smem:$0x3F99]  }
0x28: {  	s2 =	sld [smem:$0x3F9A]  }
0x29: {  	s4 =	sld [smem:$0x3F9C]  }
0x2a: {  	p0 =	seq.s32 s5, $0x0;
	s5 =	sld [smem:$0x3F9D]  }
0x2b: {  	s6 =	sld [smem:$0x3F9E]  }
0x2c: {  	s7 =	sld [smem:$0x3F9F]  }
0x2d: {  	s3 =	simm.s32 $0x108;
	s8 =	sld [smem:$0x3FA0]  }
0x2e: {  	s3 =	simm.s32 @!p0 $0x1082;
	s9 =	sld [smem:$0x3FA1]  }
0x2f: {  	lr =	sadd.s32 s0, s3;
	s0 =	sld [smem:$0x3F98]  }
0x30: {  	s3 =	sld [smem:$0x3F9B]  }
0x31: {  	[smem:$0x3FA4] =	sst s10  }
0x32: {  	s10 =	sld [smem:$0x3FA2];
	_ =	sdelay $0x3  }
0x33: {  	p0 =	seq.s32 s10, $0x1;
	s10 =	sld [smem:$0x3FA4];
	_ =	sdelay $0x3  }
0x34: {  	[smem:$0x3FA4] =	sst s10  }
0x35: {  	s10 =	sld [smem:$0x3FA3];
	_ =	sdelay $0x3  }
0x36: {  	p1 =	seq.s32 s10, $0x1;
	s10 =	sld [smem:$0x3FA4];
	_ =	sdelay $0x3  }
0x37: {  	[smem:$0x3FA4] =	sst s10  }
0x38: {  	s10 =	sld [smem:$0x3FA5]  }
0x39: {  	_ = 	snop;
	(pc) =	sbr.ind lr, $3  }
0x3a: {  	_ = 	snop  }
0x3b: {  	_ = 	snop  }
0x3c: {  	p2 =	seq.s32 s10, $0x1;
	s10 =	sld [smem:$0x3FA4]  }
0x3d: {  	_ =	shalt  }
0x3e: {  	_ =	shalt  }
0x3f: {  	_ =	shalt  }
0x40: {  	_ =	shalt  }
0x41: {  	_ =	shalt  }
0x42: {  	_ =	shalt  }
0x43: {  	_ =	shalt  }
0x44: {  	_ =	shalt  }
0x45: {  	_ =	shalt  }
0x46: {  	_ =	shalt  }
0x47: {  	_ =	shalt  }
0x48: {  	_ =	shalt  }
0x49: {  	_ =	shalt  }
0x4a: {  	_ =	shalt  }
0x4b: {  	_ =	shalt  }
0x4c: {  	_ =	shalt  }
0x4d: {  	_ =	shalt  }
0x4e: {  	_ =	shalt  }
0x4f: {  	_ =	shalt  }
0x50: {  	_ =	shalt  }
0x51: {  	_ =	shalt  }
0x52: {  	_ =	shalt  }
0x53: {  	_ =	shalt  }
0x54: {  	_ =	shalt  }
0x55: {  	_ =	shalt  }
0x56: {  	_ =	shalt  }
0x57: {  	_ =	shalt  }
0x58: {  	_ =	shalt  }
0x59: {  	_ =	shalt  }
0x5a: {  	_ =	shalt  }
0x5b: {  	_ =	shalt  }
0x5c: {  	_ =	shalt  }
0x5d: {  	_ =	shalt  }
0x5e: {  	_ =	shalt  }
0x5f: {  	_ =	shalt  }
0x60: {  	_ =	shalt  }
0x61: {  	_ =	shalt  }
0x62: {  	_ =	shalt  }
0x63: {  	_ =	shalt  }
0x64: {  	_ =	shalt  }
0x65: {  	_ =	shalt  }
0x66: {  	_ =	shalt  }
0x67: {  	_ =	shalt  }
0x68: {  	_ =	shalt  }
0x69: {  	_ =	shalt  }
0x6a: {  	_ =	shalt  }
0x6b: {  	_ =	shalt  }
0x6c: {  	_ =	shalt  }
0x6d: {  	_ =	shalt  }
0x6e: {  	_ =	shalt  }
0x6f: {  	_ =	shalt  }
0x70: {  	_ =	shalt  }
0x71: {  	_ =	shalt  }
0x72: {  	_ =	shalt  }
0x73: {  	_ =	shalt  }
0x74: {  	_ =	shalt  }
0x75: {  	_ =	shalt  }
0x76: {  	_ =	shalt  }
0x77: {  	_ =	shalt  }
0x78: {  	_ =	shalt  }
0x79: {  	_ =	shalt  }
0x7a: {  	_ =	shalt  }
0x7b: {  	_ =	shalt  }
0x7c: {  	_ =	shalt  }
0x7d: {  	_ =	shalt  }
0x7e: {  	_ =	shalt  }
0x7f: {  	_ =	shalt  }
0x80: {  	_ =	shalt  }
0x81: {  	_ =	shalt  }
0x82: {  	_ =	shalt  }
0x83: {  	_ =	shalt  }
0x84: {  	_ =	shalt  }
0x85: {  	_ =	shalt  }
0x86: {  	_ =	shalt  }
0x87: {  	_ =	shalt  }
.Lfunc_end0:
.L_simem_size_0:
called_computation_lowered:
.L_overlay_start_0:
0x88: {  	s2 =	sld [smem:$0x3FD9]  }
0x89: {  	s3 =	sld [smem:$0x3FFE];
	_ =	sdelay $0x1  }
0x8a: {  	s1 =	srdreg.scid  }
0x8b: {  	s0 =	sand.u32 $0x1, s1  }
0x8c: {  	s17 =	sshll.u32 s0, $0xA;
	s2 =	sadd.s32 s3, s2  }
0x8d: {  	s2 =	sadd.s32 s2, s17  }
0x8e: {  	[smem:$0x3FB0] =	sst s2  }
0x8f: {  	_ = 	snop  }
0x90: {  	s2 =	sld [smem:$0x3FD0];
	(tm) =	ssettm $0x1  }
0x91: {  	s18 =	sld [smem:$0x3FFB];
	_ =	sdelay $0x3  }
0x92: {  	_ =	strace s18  }
0x93: {  	s3 =	sld [smem:$0x3FFC];
	_ =	sdelay $0x3  }
0x94: {  	_ =	strace s3  }
0x95: {  	s3 =	sld [smem:$0x3FFD];
	_ =	sdelay $0x3  }
0x96: {  	_ =	strace s3  }
0x97: {  	_ =	strace $0x8FFFFFFF  }
0x98: {  	s19 =	sld [smem:$0x3FDB];
	_ =	sdelay $0x1  }
0x99: {  	s4 =	simm.s32 $_scs_section_size  }
0x9a: {  	s5 =	simm.s32 $_size__tile_overlayer_lowered;
	s6 =	simm.s32 $_tile_overlayer_lowered  }
0x9b: {  	s22 =	simm.s32 $0x1BFF;
	s21 =	sshll.u32 s6, $0x1;
	s3 =	sadd.s32 s4, s19  }
0x9c: {  	s7 =	simm.s32 $0x0;
	s20 =	sshll.u32 s5, $0x1;
	s5 =	sadd.s32 s21, s3  }
0x9d: {  	[timem:s7], [sflag:s22] =	dma.local [hbm:s5], s20  }
0x9e: {  	_ =	swait.ge [sflag:s22], s20  }
0x9f: {  	s4 =	ssub.s32 $0x0, s20;
	[sflag:s22] =	ssyncset.done $0x0  }
0xa0: {  	[sflag:s22] =	ssyncadd.s32 s4;
	_ =	sdelay $0x1  }
0xa1: {  	s23 =	simm.s32 $0x1B8B  }
0xa2: {  	_ =	swait.ge [sflag:s23], $0x1  }
0xa3: {  	[sflag:s23] =	ssyncset.done $0x0  }
0xa4: {  	s25 =	simm.s32 $0x1B8E;
	s24 =	sld [smem:$0x3FFE];
	[sflag:s23] =	ssyncadd.s32 $0xFFFFFFFF  }
0xa5: {  	s26 =	simm.s32 $execute0_lowered;
	[smem:$0x3FD2] =	sst s25  }
0xa6: {  	s5 =	sshll.u32 s26, $0x1;
	_ =	strace $0x80000046;
	[dreg:$0x1] =	wrdreg $0xFFFFFFFF  }
0xa7: {  	s28 =	simm.s32 $_size_execute0_lowered;
	s3 =	sadd.s32 s3, s5;
	[dreg:$0x0] =	wrdreg $0x0  }
0xa8: {  	s5 =	sshll.u32 s28, $0x1;
	[dreg:$0x2] =	wrdreg s3  }
0xa9: {  	[dreg:$0x3] =	wrdreg s5  }
0xaa: {  	[dreg:$0x4] =	wrdreg $0xC0  }
0xab: {  	_ =	task [dreg:s7], $0x5FFFF  }
0xac: {  	[dreg:$0x1] =	wrdreg $0xFFFFFFFF  }
0xad: {  	[dreg:$0x0] =	wrdreg $0x60  }
0xae: {  	[dreg:$0x2] =	wrdreg s24  }
0xaf: {  	[dreg:$0x3] =	wrdreg s2  }
0xb0: {  	[dreg:$0x4] =	wrdreg $0x0  }
0xb1: {  	[dreg:$0x5] =	wrdreg $0x9  }
0xb2: {  	_ =	task.clear_ibuf [dreg:s7], $0x6FFFF;
	_ =	strace $0x90000046  }
0xb3: {  	s29 =	simm.s32 $0x9;
	_ =	strace $0x80000048  }
0xb4: {  	_ =	swait.ge [sflag:s29], $0x1  }
0xb5: {  	[sflag:s29] =	ssyncadd.s32 $0xFFFFFFFF  }
0xb6: {  	_ =	strace $0x90000048  }
0xb7: {  	_ =	sfence  }
0xb8: {  	s30 =	sld [smem:$0x0];
	_ =	sdelay $0x2  }
0xb9: {  	s31 =	sshll.u32 s1, $0xD;
	s1 =	sshrl.u32 s1, $0x2  }
0xba: {  	s3 =	sand.u32 $0x4000, s31;
	s1 =	sadd.s32 s1, s30  }
0xbb: {  	s0 =	sor.u32 s3, s0;
	s1 =	sshll.u32 s1, $0x11  }
0xbc: {  	s0 =	sor.u32 s1, s0  }
0xbd: {  	s0 =	sadd.s32 $0x8F2B, s0  }
0xbe: {  	[sflag:s0] =	ssyncadd.remote.s32 $0x1  }
0xbf: {  	_ =	sfence.sel $0xFFFF  }
0xc0: {  	[dreg:$0x0] =	wrdreg $0xFFFFFFFF;
	(pc) =	sbr.abs _section_cstart, $3  }
0xc1: {  	[dreg:$0x1] =	wrdreg $0xFFFFFFFF  }
0xc2: {  	_ =	task.clear_ibuf [dreg:s7], $0x2FFFF;
	_ =	strace $0x9FFFFFFF  }
0xc3: {  	(tm) =	ssettm $0x7FFFFFFF  }
tec
execute0_lowered:
.L_overlay_start_1:
0x0: {  	(tag) =	ssettag $0x1  }
0x1: {  	s0 =	rddreg [dreg:$0x0]  }
0x2: {  	s15 =	rddreg [dreg:$0x1]  }
0x3: {  	s1 =	rddreg [dreg:$0x2]  }
0x4: {  	s2 =	simm.s32 $0x0;
	s5 =	srdreg.scid;
	s22 =	stileid.u32  }
0x5: {  	s28 =	simm.s32 $0x1;
	s29 =	simm.s32 $0x2;
	s16 =	smul.u32 $0x1E0, s22  }
0x6: {  	s30 =	simm.s32 $0x0;
	[smem:$0x7FF] =	sst s2;
	s8 =	smul.u32 $0x3C000, s22  }
0x7: {  	s4 =	sadd.s32 $0x2BA00, s0;
	s12 =	sand.u32 $0x1, s5;
	s6 =	smul.u32 $0xA00, s22  }
0x8: {  	s17 =	sadd.s32 $0x3A00, s0;
	s5 =	sadd.s32 $0xA3A00, s0;
	s23 =	smul.u32 $0x5000, s22  }
0x9: {  	s0 =	sadd.s32 $0xA5800, s0;
	s25 =	sshll.u32 s22, $0x6;
	s10 =	smul.u32 $0x14000, s12  }
0xa: {  	_ =	strace $0x80000047;
	s7 =	ssub.s32 $0x2, s12;
	s18 =	smul.u32 $0x3C00, s12  }
0xb: {  	s21 =	sshllo.u32 s12, $0x1;
	s9 =	sshrl.u32 s7, $0x1;
	s24 =	sshrl.u32 s8, $0x2  }
0xc: {  	s14 =	sshrl.u32 s23, $0x3;
	s8 =	sadd.s32 s15, s6;
	s22 =	smul.u32 $0x1E00, s21  }
0xd: {  	s21 =	smul.u32 $0xA000, s21;
	s23 =	simm.s32 $0x10440;
	s19 =	ssub.s32 s7, s9  }
0xe: {  	s20 =	sadd.s32 s24, s1;
	s7 =	sor.u32 $0x1C03, s25;
	s9 =	sadd.s32 s17, s10  }
0xf: {  	s10 =	sadd.s32 $0x280, s14;
	s11 =	sadd.s32 $0x500, s14;
	s14 =	sadd.s32 $0x780, s14  }
0x10: {  	s18 =	sadd.s32 s16, s18;
	s24 =	simm.s32 $0x80;
	s25 =	simm.s32 $0x11840  }
0x11: {  	s12 =	sadd.s32 s15, s10;
	s13 =	sadd.s32 s15, s11;
	s15 =	sadd.s32 s15, s14  }
0x12: {  	s18 =	sshll.u32 s18, $0x4;
	s22 =	sadd.s32 s16, s22;
	s17 =	sadd.s32 s17, s21  }
0x13: {  	s19 =	smax.u32 s19, $0x1;
	s20 =	sshrl.u32 s20, $0x3;
	s21 =	simm.s32 $0x3  }
0x14: {  	s26 =	sadd.s32 s0, s18;
	s31 =	sshll.u32 s22, $0x4;
	s22 =	simm.s32 $0xF040  }
0x15: {  	[dreg:$0x4] =	wrdreg s26;
	s18 =	sadd.s32 s0, s31;
	s26 =	simm.s32 $0x15840  }
.LBB2_1:
0x16: {  	[spmem:s20], [sflag:s7] =	dma.local [hbm:s5], $0x1E00  }
0x17: {  	_ =	swait.ge [sflag:s21], $0x1E00  }
0x18: {  	[sflag:s21] =	ssyncset.done $0x0  }
0x19: {  	[sflag:s21] =	ssyncadd.s32 $0xFFFFE200  }
0x1a: {  	s2 =	simm.s32 $0x0;
	[bflag:$0x0] =	sbarrier.arrive $0xFFFF  }
0x1b: {  	[tilespmem:s22], [sflag:$0x3] =	stream.linear.gather [hbm4b:s8+s2], $0x1400, $0x38;
	[tilespmem:$0x19840] =	vst v63  }
0x1c: {  	_ =	swait.ge [sflag:s21], $0x1400  }
0x1d: {  	[sflag:s21] =	ssyncset.done $0x0  }
0x1e: {  	s0 =	sadd.s32 s6, s9;
	[sflag:s21] =	ssyncadd.s32 $0xFFFFEC00  }
0x1f: {  	[tilespmem:s23], [sflag:$0x3] =	stream.linear.gather [hbm4b:s0+s2], $0x1400, $0x38;
	[tilespmem:$0x19840] =	vst v63  }
0x20: {  	_ =	swait.ge [sflag:s21], $0x1400  }
0x21: {  	[sflag:s21] =	ssyncset.done $0x0  }
0x22: {  	s16 =	simm.s32 $0xF040;
	[sflag:s21] =	ssyncadd.s32 $0xFFFFEC00  }
0x23: {  	[tilespmem:s25], [sflag:$0x1] =	stream.indirect.gather [hbm4b:s4+s24], $0x80, s16, s24, $0xb8;
	[tilespmem:$0x19840] =	vst v63  }
0x24: {  	s2 =	simm.s32 $0xF0C0  }
0x25: {  	[tilespmem:s26], [sflag:$0x2] =	stream.indirect.gather [hbm4b:s4+s24], $0x80, s2, s24, $0xb8;
	[tilespmem:$0x19840] =	vst v63  }
0x26: {  	_ =	swait.ge [sflag:s28], $0x4000  }
0x27: {  	[sflag:s28] =	ssyncset.done $0x0  }
0x28: {  	s3 =	simm.s32 $0x10440;
	[sflag:s28] =	ssyncadd.s32 $0xFFFFC000  }
0x29: {  	[spmem:s1] =	stream.indirect.scatter.add.f32 [tilespmem:s25], [sflag:$0x3], $0x80, s3, s24, $0xb8;
	[tilespmem:$0x19840] =	vst v63  }
0x2a: {  	_ =	swait.ge [sflag:s21], $0x4000  }
0x2b: {  	[sflag:s21] =	ssyncset.done $0x0  }
0x2c: {  	[sflag:s21] =	ssyncadd.s32 $0xFFFFC000  }
0x2d: {  	_ =	swait.ge [sflag:s29], $0x4000  }
0x2e: {  	[sflag:s29] =	ssyncset.done $0x0  }
0x2f: {  	s16 =	simm.s32 $0x104C0;
	[sflag:s29] =	ssyncadd.s32 $0xFFFFC000  }
0x30: {  	[spmem:s1] =	stream.indirect.scatter.add.f32 [tilespmem:s26], [sflag:$0x3], $0x80, s16, s24, $0xb8;
	[tilespmem:$0x19840] =	vst v63  }
0x31: {  	_ =	swait.ge [sflag:s21], $0x4000  }
0x32: {  	s31 =	simm.s32 $0x100;
	s0 =	simm.s32 $0x800;
	[sflag:s21] =	ssyncset.done $0x0  }
.LBB2_2:
0x33: {  	s2 =	sadd.s32 $0xF040, s31  }
0x34: {  	[sflag:s21] =	ssyncadd.s32 $0xFFFFC000;
	s3 =	smov.u32 s0;
	s16 =	sadd.s32 $0x400, s0  }
0x35: {  	[tilespmem:s25], [sflag:$0x1] =	stream.indirect.gather [hbm4b:s4+s24], $0x80, s2, s24, $0xb8;
	[tilespmem:$0x19840] =	vst v63  }
0x36: {  	p0 =	sne.s32 s0, $0x4C00;
	s0 =	sadd.s32 $0xF0C0, s31  }
0x37: {  	[tilespmem:s26], [sflag:$0x2] =	stream.indirect.gather [hbm4b:s4+s24], $0x80, s0, s24, $0xb8;
	[tilespmem:$0x19840] =	vst v63  }
0x38: {  	_ =	swait.ge [sflag:s28], $0x4000  }
0x39: {  	[sflag:s28] =	ssyncset.done $0x0  }
0x3a: {  	s0 =	sadd.s32 $0x10440, s31;
	[sflag:s28] =	ssyncadd.s32 $0xFFFFC000  }
0x3b: {  	[spmem:s1] =	stream.indirect.scatter.add.f32 [tilespmem:s25], [sflag:$0x3], $0x80, s0, s24, $0xb8;
	[tilespmem:$0x19840] =	vst v63  }
0x3c: {  	_ =	swait.ge [sflag:s21], $0x4000  }
0x3d: {  	[sflag:s21] =	ssyncset.done $0x0  }
0x3e: {  	[sflag:s21] =	ssyncadd.s32 $0xFFFFC000  }
0x3f: {  	_ =	swait.ge [sflag:s29], $0x4000  }
.Ltmp0:
0x40: {  	[sflag:s29] =	ssyncset.done $0x0;
	(pc) =	sbr.rel @p0 .LBB2_2-.Ltmp0, $4  }
0x41: {  	s0 =	sadd.s32 $0x104C0, s31;
	[sflag:s29] =	ssyncadd.s32 $0xFFFFC000  }
0x42: {  	[spmem:s1] =	stream.indirect.scatter.add.f32 [tilespmem:s26], [sflag:$0x3], $0x80, s0, s24, $0xb8;
	[tilespmem:$0x19840] =	vst v63  }
0x43: {  	_ =	swait.ge [sflag:s21], $0x4000  }
0x44: {  	s31 =	sshra.s32 s3, $0x2;
	s0 =	smov.u32 s16;
	[sflag:s21] =	ssyncset.done $0x0  }
0x45: {  	s0 =	sadd.s32 $0xF040, s31;
	[sflag:s21] =	ssyncadd.s32 $0xFFFFC000  }
0x46: {  	[tilespmem:s25], [sflag:$0x1] =	stream.indirect.gather [hbm4b:s4+s24], $0x80, s0, s24, $0xb8;
	[tilespmem:$0x19840] =	vst v63  }
0x47: {  	s3 =	sadd.s32 $0xF0C0, s31  }
0x48: {  	[tilespmem:s26], [sflag:$0x2] =	stream.indirect.gather [hbm4b:s4+s24], $0x80, s3, s24, $0xb8;
	[tilespmem:$0x19840] =	vst v63  }
0x49: {  	_ =	swait.ge [sflag:s28], $0x4000  }
0x4a: {  	[sflag:s28] =	ssyncset.done $0x0  }
0x4b: {  	s16 =	sadd.s32 $0x10440, s31;
	[sflag:s28] =	ssyncadd.s32 $0xFFFFC000  }
0x4c: {  	[spmem:s1] =	stream.indirect.scatter.add.f32 [tilespmem:s25], [sflag:$0x3], $0x80, s16, s24, $0xb8;
	[tilespmem:$0x19840] =	vst v63  }
0x4d: {  	_ =	swait.ge [sflag:s21], $0x4000  }
0x4e: {  	[sflag:s21] =	ssyncset.done $0x0  }
0x4f: {  	[sflag:s21] =	ssyncadd.s32 $0xFFFFC000  }
0x50: {  	_ =	swait.ge [sflag:s29], $0x4000  }
0x51: {  	[sflag:s29] =	ssyncset.done $0x0  }
0x52: {  	s2 =	sadd.s32 $0x104C0, s31;
	[sflag:s29] =	ssyncadd.s32 $0xFFFFC000  }
0x53: {  	[spmem:s1] =	stream.indirect.scatter.add.f32 [tilespmem:s26], [sflag:$0x3], $0x80, s2, s24, $0xb8;
	[tilespmem:$0x19840] =	vst v63  }
0x54: {  	_ =	swait.ge [sflag:s21], $0x4000  }
0x55: {  	[sflag:s21] =	ssyncset.done $0x0  }
0x56: {  	s3 =	simm.s32 $0x0;
	[sflag:s21] =	ssyncadd.s32 $0xFFFFC000  }
0x57: {  	[tilespmem:s22], [sflag:$0x3] =	stream.linear.gather [hbm4b:s12+s3], $0x1400, $0x38;
	[tilespmem:$0x19840] =	vst v63  }
0x58: {  	_ =	swait.ge [sflag:s21], $0x1400  }
0x59: {  	[sflag:s21] =	ssyncset.done $0x0  }
0x5a: {  	s2 =	sadd.s32 s10, s9;
	[sflag:s21] =	ssyncadd.s32 $0xFFFFEC00  }
0x5b: {  	[tilespmem:s23], [sflag:$0x3] =	stream.linear.gather [hbm4b:s2+s3], $0x1400, $0x38;
	[tilespmem:$0x19840] =	vst v63  }
0x5c: {  	_ =	swait.ge [sflag:s21], $0x1400  }
0x5d: {  	[sflag:s21] =	ssyncset.done $0x0  }
0x5e: {  	s16 =	simm.s32 $0xF040;
	[sflag:s21] =	ssyncadd.s32 $0xFFFFEC00  }
0x5f: {  	[tilespmem:s25], [sflag:$0x1] =	stream.indirect.gather [hbm4b:s4+s24], $0x80, s16, s24, $0xb8;
	[tilespmem:$0x19840] =	vst v63  }
0x60: {  	s2 =	simm.s32 $0xF0C0  }
0x61: {  	[tilespmem:s26], [sflag:$0x2] =	stream.indirect.gather [hbm4b:s4+s24], $0x80, s2, s24, $0xb8;
	[tilespmem:$0x19840] =	vst v63  }
0x62: {  	_ =	swait.ge [sflag:s28], $0x4000  }
0x63: {  	[sflag:s28] =	ssyncset.done $0x0  }
0x64: {  	s3 =	simm.s32 $0x10440;
	[sflag:s28] =	ssyncadd.s32 $0xFFFFC000  }
0x65: {  	[spmem:s1] =	stream.indirect.scatter.add.f32 [tilespmem:s25], [sflag:$0x3], $0x80, s3, s24, $0xb8;
	[tilespmem:$0x19840] =	vst v63  }
0x66: {  	_ =	swait.ge [sflag:s21], $0x4000  }
0x67: {  	[sflag:s21] =	ssyncset.done $0x0  }
0x68: {  	[sflag:s21] =	ssyncadd.s32 $0xFFFFC000  }
0x69: {  	_ =	swait.ge [sflag:s29], $0x4000  }
0x6a: {  	[sflag:s29] =	ssyncset.done $0x0  }
0x6b: {  	s16 =	simm.s32 $0x104C0;
	[sflag:s29] =	ssyncadd.s32 $0xFFFFC000  }
0x6c: {  	[spmem:s1] =	stream.indirect.scatter.add.f32 [tilespmem:s26], [sflag:$0x3], $0x80, s16, s24, $0xb8;
	[tilespmem:$0x19840] =	vst v63  }
0x6d: {  	_ =	swait.ge [sflag:s21], $0x4000  }
0x6e: {  	s31 =	simm.s32 $0x100;
	s0 =	simm.s32 $0x800;
	[sflag:s21] =	ssyncset.done $0x0  }
.LBB2_4:
0x6f: {  	s2 =	sadd.s32 $0xF040, s31  }
0x70: {  	[sflag:s21] =	ssyncadd.s32 $0xFFFFC000;
	s3 =	smov.u32 s0;
	s16 =	sadd.s32 $0x400, s0  }
0x71: {  	[tilespmem:s25], [sflag:$0x1] =	stream.indirect.gather [hbm4b:s4+s24], $0x80, s2, s24, $0xb8;
	[tilespmem:$0x19840] =	vst v63  }
0x72: {  	p0 =	sne.s32 s0, $0x4C00;
	s0 =	sadd.s32 $0xF0C0, s31  }
0x73: {  	[tilespmem:s26], [sflag:$0x2] =	stream.indirect.gather [hbm4b:s4+s24], $0x80, s0, s24, $0xb8;
	[tilespmem:$0x19840] =	vst v63  }
0x74: {  	_ =	swait.ge [sflag:s28], $0x4000  }
0x75: {  	[sflag:s28] =	ssyncset.done $0x0  }
0x76: {  	s0 =	sadd.s32 $0x10440, s31;
	[sflag:s28] =	ssyncadd.s32 $0xFFFFC000  }
0x77: {  	[spmem:s1] =	stream.indirect.scatter.add.f32 [tilespmem:s25], [sflag:$0x3], $0x80, s0, s24, $0xb8;
	[tilespmem:$0x19840] =	vst v63  }
0x78: {  	_ =	swait.ge [sflag:s21], $0x4000  }
0x79: {  	[sflag:s21] =	ssyncset.done $0x0  }
0x7a: {  	[sflag:s21] =	ssyncadd.s32 $0xFFFFC000  }
0x7b: {  	_ =	swait.ge [sflag:s29], $0x4000  }
.Ltmp1:
0x7c: {  	[sflag:s29] =	ssyncset.done $0x0;
	(pc) =	sbr.rel @p0 .LBB2_4-.Ltmp1, $4  }
0x7d: {  	s0 =	sadd.s32 $0x104C0, s31;
	[sflag:s29] =	ssyncadd.s32 $0xFFFFC000  }
0x7e: {  	[spmem:s1] =	stream.indirect.scatter.add.f32 [tilespmem:s26], [sflag:$0x3], $0x80, s0, s24, $0xb8;
	[tilespmem:$0x19840] =	vst v63  }
0x7f: {  	_ =	swait.ge [sflag:s21], $0x4000  }
0x80: {  	s31 =	sshra.s32 s3, $0x2;
	s0 =	smov.u32 s16;
	[sflag:s21] =	ssyncset.done $0x0  }
0x81: {  	s0 =	sadd.s32 $0xF040, s31;
	[sflag:s21] =	ssyncadd.s32 $0xFFFFC000  }
0x82: {  	[tilespmem:s25], [sflag:$0x1] =	stream.indirect.gather [hbm4b:s4+s24], $0x80, s0, s24, $0xb8;
	[tilespmem:$0x19840] =	vst v63  }
0x83: {  	s3 =	sadd.s32 $0xF0C0, s31  }
0x84: {  	[tilespmem:s26], [sflag:$0x2] =	stream.indirect.gather [hbm4b:s4+s24], $0x80, s3, s24, $0xb8;
	[tilespmem:$0x19840] =	vst v63  }
0x85: {  	_ =	swait.ge [sflag:s28], $0x4000  }
0x86: {  	[sflag:s28] =	ssyncset.done $0x0  }
0x87: {  	s16 =	sadd.s32 $0x10440, s31;
	[sflag:s28] =	ssyncadd.s32 $0xFFFFC000  }
0x88: {  	[spmem:s1] =	stream.indirect.scatter.add.f32 [tilespmem:s25], [sflag:$0x3], $0x80, s16, s24, $0xb8;
	[tilespmem:$0x19840] =	vst v63  }
0x89: {  	_ =	swait.ge [sflag:s21], $0x4000  }
0x8a: {  	[sflag:s21] =	ssyncset.done $0x0  }
0x8b: {  	[sflag:s21] =	ssyncadd.s32 $0xFFFFC000  }
0x8c: {  	_ =	swait.ge [sflag:s29], $0x4000  }
0x8d: {  	[sflag:s29] =	ssyncset.done $0x0  }
0x8e: {  	s2 =	sadd.s32 $0x104C0, s31;
	[sflag:s29] =	ssyncadd.s32 $0xFFFFC000  }
0x8f: {  	[spmem:s1] =	stream.indirect.scatter.add.f32 [tilespmem:s26], [sflag:$0x3], $0x80, s2, s24, $0xb8;
	[tilespmem:$0x19840] =	vst v63  }
0x90: {  	_ =	swait.ge [sflag:s21], $0x4000  }
0x91: {  	[sflag:s21] =	ssyncset.done $0x0  }
0x92: {  	s3 =	simm.s32 $0x0;
	[sflag:s21] =	ssyncadd.s32 $0xFFFFC000  }
0x93: {  	[tilespmem:s22], [sflag:$0x3] =	stream.linear.gather [hbm4b:s13+s3], $0x1400, $0x38;
	[tilespmem:$0x19840] =	vst v63  }
0x94: {  	_ =	swait.ge [sflag:s21], $0x1400  }
0x95: {  	[sflag:s21] =	ssyncset.done $0x0  }
0x96: {  	s2 =	sadd.s32 s11, s9;
	[sflag:s21] =	ssyncadd.s32 $0xFFFFEC00  }
0x97: {  	[tilespmem:s23], [sflag:$0x3] =	stream.linear.gather [hbm4b:s2+s3], $0x1400, $0x38;
	[tilespmem:$0x19840] =	vst v63  }
0x98: {  	_ =	swait.ge [sflag:s21], $0x1400  }
0x99: {  	[sflag:s21] =	ssyncset.done $0x0  }
0x9a: {  	s16 =	simm.s32 $0xF040;
	[sflag:s21] =	ssyncadd.s32 $0xFFFFEC00  }
0x9b: {  	[tilespmem:s25], [sflag:$0x1] =	stream.indirect.gather [hbm4b:s4+s24], $0x80, s16, s24, $0xb8;
	[tilespmem:$0x19840] =	vst v63  }
0x9c: {  	s2 =	simm.s32 $0xF0C0  }
0x9d: {  	[tilespmem:s26], [sflag:$0x2] =	stream.indirect.gather [hbm4b:s4+s24], $0x80, s2, s24, $0xb8;
	[tilespmem:$0x19840] =	vst v63  }
0x9e: {  	_ =	swait.ge [sflag:s28], $0x4000  }
0x9f: {  	[sflag:s28] =	ssyncset.done $0x0  }
0xa0: {  	s3 =	simm.s32 $0x10440;
	[sflag:s28] =	ssyncadd.s32 $0xFFFFC000  }
0xa1: {  	[spmem:s1] =	stream.indirect.scatter.add.f32 [tilespmem:s25], [sflag:$0x3], $0x80, s3, s24, $0xb8;
	[tilespmem:$0x19840] =	vst v63  }
0xa2: {  	_ =	swait.ge [sflag:s21], $0x4000  }
0xa3: {  	[sflag:s21] =	ssyncset.done $0x0  }
0xa4: {  	[sflag:s21] =	ssyncadd.s32 $0xFFFFC000  }
0xa5: {  	_ =	swait.ge [sflag:s29], $0x4000  }
0xa6: {  	[sflag:s29] =	ssyncset.done $0x0  }
0xa7: {  	s16 =	simm.s32 $0x104C0;
	[sflag:s29] =	ssyncadd.s32 $0xFFFFC000  }
0xa8: {  	[spmem:s1] =	stream.indirect.scatter.add.f32 [tilespmem:s26], [sflag:$0x3], $0x80, s16, s24, $0xb8;
	[tilespmem:$0x19840] =	vst v63  }
0xa9: {  	_ =	swait.ge [sflag:s21], $0x4000  }
0xaa: {  	s31 =	simm.s32 $0x100;
	s0 =	simm.s32 $0x800;
	[sflag:s21] =	ssyncset.done $0x0  }
.LBB2_6:
0xab: {  	s2 =	sadd.s32 $0xF040, s31  }
0xac: {  	[sflag:s21] =	ssyncadd.s32 $0xFFFFC000;
	s3 =	smov.u32 s0;
	s16 =	sadd.s32 $0x400, s0  }
0xad: {  	[tilespmem:s25], [sflag:$0x1] =	stream.indirect.gather [hbm4b:s4+s24], $0x80, s2, s24, $0xb8;
	[tilespmem:$0x19840] =	vst v63  }
0xae: {  	p0 =	sne.s32 s0, $0x4C00;
	s0 =	sadd.s32 $0xF0C0, s31  }
0xaf: {  	[tilespmem:s26], [sflag:$0x2] =	stream.indirect.gather [hbm4b:s4+s24], $0x80, s0, s24, $0xb8;
	[tilespmem:$0x19840] =	vst v63  }
0xb0: {  	_ =	swait.ge [sflag:s28], $0x4000  }
0xb1: {  	[sflag:s28] =	ssyncset.done $0x0  }
0xb2: {  	s0 =	sadd.s32 $0x10440, s31;
	[sflag:s28] =	ssyncadd.s32 $0xFFFFC000  }
0xb3: {  	[spmem:s1] =	stream.indirect.scatter.add.f32 [tilespmem:s25], [sflag:$0x3], $0x80, s0, s24, $0xb8;
	[tilespmem:$0x19840] =	vst v63  }
0xb4: {  	_ =	swait.ge [sflag:s21], $0x4000  }
0xb5: {  	[sflag:s21] =	ssyncset.done $0x0  }
0xb6: {  	[sflag:s21] =	ssyncadd.s32 $0xFFFFC000  }
0xb7: {  	_ =	swait.ge [sflag:s29], $0x4000  }
.Ltmp2:
0xb8: {  	[sflag:s29] =	ssyncset.done $0x0;
	(pc) =	sbr.rel @p0 .LBB2_6-.Ltmp2, $4  }
0xb9: {  	s0 =	sadd.s32 $0x104C0, s31;
	[sflag:s29] =	ssyncadd.s32 $0xFFFFC000  }
0xba: {  	[spmem:s1] =	stream.indirect.scatter.add.f32 [tilespmem:s26], [sflag:$0x3], $0x80, s0, s24, $0xb8;
	[tilespmem:$0x19840] =	vst v63  }
0xbb: {  	_ =	swait.ge [sflag:s21], $0x4000  }
0xbc: {  	s31 =	sshra.s32 s3, $0x2;
	s0 =	smov.u32 s16;
	[sflag:s21] =	ssyncset.done $0x0  }
0xbd: {  	s0 =	sadd.s32 $0xF040, s31;
	[sflag:s21] =	ssyncadd.s32 $0xFFFFC000  }
0xbe: {  	[tilespmem:s25], [sflag:$0x1] =	stream.indirect.gather [hbm4b:s4+s24], $0x80, s0, s24, $0xb8;
	[tilespmem:$0x19840] =	vst v63  }
0xbf: {  	s3 =	sadd.s32 $0xF0C0, s31  }
0xc0: {  	[tilespmem:s26], [sflag:$0x2] =	stream.indirect.gather [hbm4b:s4+s24], $0x80, s3, s24, $0xb8;
	[tilespmem:$0x19840] =	vst v63  }
0xc1: {  	_ =	swait.ge [sflag:s28], $0x4000  }
0xc2: {  	[sflag:s28] =	ssyncset.done $0x0  }
0xc3: {  	s16 =	sadd.s32 $0x10440, s31;
	[sflag:s28] =	ssyncadd.s32 $0xFFFFC000  }
0xc4: {  	[spmem:s1] =	stream.indirect.scatter.add.f32 [tilespmem:s25], [sflag:$0x3], $0x80, s16, s24, $0xb8;
	[tilespmem:$0x19840] =	vst v63  }
0xc5: {  	_ =	swait.ge [sflag:s21], $0x4000  }
0xc6: {  	[sflag:s21] =	ssyncset.done $0x0  }
0xc7: {  	[sflag:s21] =	ssyncadd.s32 $0xFFFFC000  }
0xc8: {  	_ =	swait.ge [sflag:s29], $0x4000  }
0xc9: {  	[sflag:s29] =	ssyncset.done $0x0  }
0xca: {  	s2 =	sadd.s32 $0x104C0, s31;
	[sflag:s29] =	ssyncadd.s32 $0xFFFFC000  }
0xcb: {  	[spmem:s1] =	stream.indirect.scatter.add.f32 [tilespmem:s26], [sflag:$0x3], $0x80, s2, s24, $0xb8;
	[tilespmem:$0x19840] =	vst v63  }
0xcc: {  	_ =	swait.ge [sflag:s21], $0x4000  }
0xcd: {  	[sflag:s21] =	ssyncset.done $0x0  }
0xce: {  	s3 =	simm.s32 $0x0;
	[sflag:s21] =	ssyncadd.s32 $0xFFFFC000  }
0xcf: {  	[tilespmem:s22], [sflag:$0x3] =	stream.linear.gather [hbm4b:s15+s3], $0x1400, $0x38;
	[tilespmem:$0x19840] =	vst v63  }
0xd0: {  	_ =	swait.ge [sflag:s21], $0x1400  }
0xd1: {  	[sflag:s21] =	ssyncset.done $0x0  }
0xd2: {  	s2 =	sadd.s32 s14, s9;
	[sflag:s21] =	ssyncadd.s32 $0xFFFFEC00  }
0xd3: {  	[tilespmem:s23], [sflag:$0x3] =	stream.linear.gather [hbm4b:s2+s3], $0x1400, $0x38;
	[tilespmem:$0x19840] =	vst v63  }
0xd4: {  	_ =	swait.ge [sflag:s21], $0x1400  }
0xd5: {  	[sflag:s21] =	ssyncset.done $0x0  }
0xd6: {  	s16 =	simm.s32 $0xF040;
	[sflag:s21] =	ssyncadd.s32 $0xFFFFEC00  }
0xd7: {  	[tilespmem:s25], [sflag:$0x1] =	stream.indirect.gather [hbm4b:s4+s24], $0x80, s16, s24, $0xb8;
	[tilespmem:$0x19840] =	vst v63  }
0xd8: {  	s2 =	simm.s32 $0xF0C0  }
0xd9: {  	[tilespmem:s26], [sflag:$0x2] =	stream.indirect.gather [hbm4b:s4+s24], $0x80, s2, s24, $0xb8;
	[tilespmem:$0x19840] =	vst v63  }
0xda: {  	_ =	swait.ge [sflag:s28], $0x4000  }
0xdb: {  	[sflag:s28] =	ssyncset.done $0x0  }
0xdc: {  	s3 =	simm.s32 $0x10440;
	[sflag:s28] =	ssyncadd.s32 $0xFFFFC000  }
0xdd: {  	[spmem:s1] =	stream.indirect.scatter.add.f32 [tilespmem:s25], [sflag:$0x3], $0x80, s3, s24, $0xb8;
	[tilespmem:$0x19840] =	vst v63  }
0xde: {  	_ =	swait.ge [sflag:s21], $0x4000  }
0xdf: {  	[sflag:s21] =	ssyncset.done $0x0  }
0xe0: {  	[sflag:s21] =	ssyncadd.s32 $0xFFFFC000  }
0xe1: {  	_ =	swait.ge [sflag:s29], $0x4000  }
0xe2: {  	[sflag:s29] =	ssyncset.done $0x0  }
0xe3: {  	s16 =	simm.s32 $0x104C0;
	[sflag:s29] =	ssyncadd.s32 $0xFFFFC000  }
0xe4: {  	[spmem:s1] =	stream.indirect.scatter.add.f32 [tilespmem:s26], [sflag:$0x3], $0x80, s16, s24, $0xb8;
	[tilespmem:$0x19840] =	vst v63  }
0xe5: {  	_ =	swait.ge [sflag:s21], $0x4000  }
0xe6: {  	s31 =	simm.s32 $0x100;
	s0 =	simm.s32 $0x800;
	[sflag:s21] =	ssyncset.done $0x0  }
.LBB2_8:
0xe7: {  	s2 =	sadd.s32 $0xF040, s31  }
0xe8: {  	[sflag:s21] =	ssyncadd.s32 $0xFFFFC000;
	s3 =	smov.u32 s0;
	s16 =	sadd.s32 $0x400, s0  }
0xe9: {  	[tilespmem:s25], [sflag:$0x1] =	stream.indirect.gather [hbm4b:s4+s24], $0x80, s2, s24, $0xb8;
	[tilespmem:$0x19840] =	vst v63  }
0xea: {  	p0 =	sne.s32 s0, $0x4C00;
	s0 =	sadd.s32 $0xF0C0, s31  }
0xeb: {  	[tilespmem:s26], [sflag:$0x2] =	stream.indirect.gather [hbm4b:s4+s24], $0x80, s0, s24, $0xb8;
	[tilespmem:$0x19840] =	vst v63  }
0xec: {  	_ =	swait.ge [sflag:s28], $0x4000  }
0xed: {  	[sflag:s28] =	ssyncset.done $0x0  }
0xee: {  	s0 =	sadd.s32 $0x10440, s31;
	[sflag:s28] =	ssyncadd.s32 $0xFFFFC000  }
0xef: {  	[spmem:s1] =	stream.indirect.scatter.add.f32 [tilespmem:s25], [sflag:$0x3], $0x80, s0, s24, $0xb8;
	[tilespmem:$0x19840] =	vst v63  }
0xf0: {  	_ =	swait.ge [sflag:s21], $0x4000  }
0xf1: {  	[sflag:s21] =	ssyncset.done $0x0  }
0xf2: {  	[sflag:s21] =	ssyncadd.s32 $0xFFFFC000  }
0xf3: {  	_ =	swait.ge [sflag:s29], $0x4000  }
.Ltmp3:
0xf4: {  	[sflag:s29] =	ssyncset.done $0x0;
	(pc) =	sbr.rel @p0 .LBB2_8-.Ltmp3, $4  }
0xf5: {  	s0 =	sadd.s32 $0x104C0, s31;
	[sflag:s29] =	ssyncadd.s32 $0xFFFFC000  }
0xf6: {  	[spmem:s1] =	stream.indirect.scatter.add.f32 [tilespmem:s26], [sflag:$0x3], $0x80, s0, s24, $0xb8;
	[tilespmem:$0x19840] =	vst v63  }
0xf7: {  	_ =	swait.ge [sflag:s21], $0x4000  }
0xf8: {  	s31 =	sshra.s32 s3, $0x2;
	s0 =	smov.u32 s16;
	[sflag:s21] =	ssyncset.done $0x0  }
0xf9: {  	s0 =	sadd.s32 $0xF040, s31;
	[sflag:s21] =	ssyncadd.s32 $0xFFFFC000  }
0xfa: {  	[tilespmem:s25], [sflag:$0x1] =	stream.indirect.gather [hbm4b:s4+s24], $0x80, s0, s24, $0xb8;
	[tilespmem:$0x19840] =	vst v63  }
0xfb: {  	s2 =	sadd.s32 $0xF0C0, s31  }
0xfc: {  	[tilespmem:s26], [sflag:$0x2] =	stream.indirect.gather [hbm4b:s4+s24], $0x80, s2, s24, $0xb8;
	[tilespmem:$0x19840] =	vst v63  }
0xfd: {  	_ =	swait.ge [sflag:s28], $0x4000  }
0xfe: {  	[sflag:s28] =	ssyncset.done $0x0  }
0xff: {  	s3 =	sadd.s32 $0x10440, s31;
	[sflag:s28] =	ssyncadd.s32 $0xFFFFC000  }
0x100: {  	[spmem:s1] =	stream.indirect.scatter.add.f32 [tilespmem:s25], [sflag:$0x3], $0x80, s3, s24, $0xb8;
	[tilespmem:$0x19840] =	vst v63  }
0x101: {  	_ =	swait.ge [sflag:s21], $0x4000  }
0x102: {  	[sflag:s21] =	ssyncset.done $0x0  }
0x103: {  	[sflag:s21] =	ssyncadd.s32 $0xFFFFC000  }
0x104: {  	_ =	swait.ge [sflag:s29], $0x4000  }
0x105: {  	[sflag:s29] =	ssyncset.done $0x0  }
0x106: {  	s16 =	sadd.s32 $0x104C0, s31;
	[sflag:s29] =	ssyncadd.s32 $0xFFFFC000  }
0x107: {  	[spmem:s1] =	stream.indirect.scatter.add.f32 [tilespmem:s26], [sflag:$0x3], $0x80, s16, s24, $0xb8;
	[tilespmem:$0x19840] =	vst v63  }
0x108: {  	_ =	swait.ge [sflag:s21], $0x4000  }
0x109: {  	[sflag:s21] =	ssyncset.done $0x0  }
0x10a: {  	[sflag:s21] =	ssyncadd.s32 $0xFFFFC000  }
0x10b: {  	[bflag:$0x0] =	sbarrier.arrive $0xFFFF  }
0x10c: {  	s2 =	rddreg [dreg:$0x4]  }
0x10d: {  	[hbm:s2], [sflag:s7] =	dma.local [spmem:s20], $0x1E00  }
0x10e: {  	_ =	swait.ge [sflag:s21], $0x1E00  }
0x10f: {  	[sflag:s21] =	ssyncset.done $0x0  }
0x110: {  	[sflag:s21] =	ssyncadd.s32 $0xFFFFE200  }
0x111: {  	[spmem:s20], [sflag:s7] =	dma.local [hbm:s5], $0x1E00  }
0x112: {  	_ =	swait.ge [sflag:s21], $0x1E00  }
0x113: {  	[sflag:s21] =	ssyncset.done $0x0  }
0x114: {  	[sflag:s21] =	ssyncadd.s32 $0xFFFFE200  }
0x115: {  	s3 =	simm.s32 $0x0;
	[bflag:$0x0] =	sbarrier.arrive $0xFFFF  }
0x116: {  	[tilespmem:s22], [sflag:$0x3] =	stream.linear.gather [hbm4b:s8+s3], $0x1400, $0x38;
	[tilespmem:$0x19840] =	vst v63  }
0x117: {  	_ =	swait.ge [sflag:s21], $0x1400  }
0x118: {  	[sflag:s21] =	ssyncset.done $0x0  }
0x119: {  	s2 =	sadd.s32 s6, s17;
	[sflag:s21] =	ssyncadd.s32 $0xFFFFEC00  }
0x11a: {  	[tilespmem:s23], [sflag:$0x3] =	stream.linear.gather [hbm4b:s2+s3], $0x1400, $0x38;
	[tilespmem:$0x19840] =	vst v63  }
0x11b: {  	_ =	swait.ge [sflag:s21], $0x1400  }
0x11c: {  	[sflag:s21] =	ssyncset.done $0x0  }
0x11d: {  	s16 =	simm.s32 $0xF040;
	[sflag:s21] =	ssyncadd.s32 $0xFFFFEC00  }
0x11e: {  	[tilespmem:s25], [sflag:$0x1] =	stream.indirect.gather [hbm4b:s4+s24], $0x80, s16, s24, $0xb8;
	[tilespmem:$0x19840] =	vst v63  }
0x11f: {  	s2 =	simm.s32 $0xF0C0  }
0x120: {  	[tilespmem:s26], [sflag:$0x2] =	stream.indirect.gather [hbm4b:s4+s24], $0x80, s2, s24, $0xb8;
	[tilespmem:$0x19840] =	vst v63  }
0x121: {  	_ =	swait.ge [sflag:s28], $0x4000  }
0x122: {  	[sflag:s28] =	ssyncset.done $0x0  }
0x123: {  	s3 =	simm.s32 $0x10440;
	[sflag:s28] =	ssyncadd.s32 $0xFFFFC000  }
0x124: {  	[spmem:s1] =	stream.indirect.scatter.add.f32 [tilespmem:s25], [sflag:$0x3], $0x80, s3, s24, $0xb8;
	[tilespmem:$0x19840] =	vst v63  }
0x125: {  	_ =	swait.ge [sflag:s21], $0x4000  }
0x126: {  	[sflag:s21] =	ssyncset.done $0x0  }
0x127: {  	[sflag:s21] =	ssyncadd.s32 $0xFFFFC000  }
0x128: {  	_ =	swait.ge [sflag:s29], $0x4000  }
0x129: {  	[sflag:s29] =	ssyncset.done $0x0  }
0x12a: {  	s16 =	simm.s32 $0x104C0;
	[sflag:s29] =	ssyncadd.s32 $0xFFFFC000  }
0x12b: {  	[spmem:s1] =	stream.indirect.scatter.add.f32 [tilespmem:s26], [sflag:$0x3], $0x80, s16, s24, $0xb8;
	[tilespmem:$0x19840] =	vst v63  }
0x12c: {  	_ =	swait.ge [sflag:s21], $0x4000  }
0x12d: {  	s31 =	simm.s32 $0x100;
	s0 =	simm.s32 $0x800;
	[sflag:s21] =	ssyncset.done $0x0  }
.LBB2_10:
0x12e: {  	s2 =	sadd.s32 $0xF040, s31  }
0x12f: {  	[sflag:s21] =	ssyncadd.s32 $0xFFFFC000;
	s3 =	smov.u32 s0;
	s16 =	sadd.s32 $0x400, s0  }
0x130: {  	[tilespmem:s25], [sflag:$0x1] =	stream.indirect.gather [hbm4b:s4+s24], $0x80, s2, s24, $0xb8;
	[tilespmem:$0x19840] =	vst v63  }
0x131: {  	p0 =	sne.s32 s0, $0x4C00;
	s0 =	sadd.s32 $0xF0C0, s31  }
0x132: {  	[tilespmem:s26], [sflag:$0x2] =	stream.indirect.gather [hbm4b:s4+s24], $0x80, s0, s24, $0xb8;
	[tilespmem:$0x19840] =	vst v63  }
0x133: {  	_ =	swait.ge [sflag:s28], $0x4000  }
0x134: {  	[sflag:s28] =	ssyncset.done $0x0  }
0x135: {  	s0 =	sadd.s32 $0x10440, s31;
	[sflag:s28] =	ssyncadd.s32 $0xFFFFC000  }
0x136: {  	[spmem:s1] =	stream.indirect.scatter.add.f32 [tilespmem:s25], [sflag:$0x3], $0x80, s0, s24, $0xb8;
	[tilespmem:$0x19840] =	vst v63  }
0x137: {  	_ =	swait.ge [sflag:s21], $0x4000  }
0x138: {  	[sflag:s21] =	ssyncset.done $0x0  }
0x139: {  	[sflag:s21] =	ssyncadd.s32 $0xFFFFC000  }
0x13a: {  	_ =	swait.ge [sflag:s29], $0x4000  }
.Ltmp4:
0x13b: {  	[sflag:s29] =	ssyncset.done $0x0;
	(pc) =	sbr.rel @p0 .LBB2_10-.Ltmp4, $4  }
0x13c: {  	s0 =	sadd.s32 $0x104C0, s31;
	[sflag:s29] =	ssyncadd.s32 $0xFFFFC000  }
0x13d: {  	[spmem:s1] =	stream.indirect.scatter.add.f32 [tilespmem:s26], [sflag:$0x3], $0x80, s0, s24, $0xb8;
	[tilespmem:$0x19840] =	vst v63  }
0x13e: {  	_ =	swait.ge [sflag:s21], $0x4000  }
0x13f: {  	s31 =	sshra.s32 s3, $0x2;
	s0 =	smov.u32 s16;
	[sflag:s21] =	ssyncset.done $0x0  }
0x140: {  	s0 =	sadd.s32 $0xF040, s31;
	[sflag:s21] =	ssyncadd.s32 $0xFFFFC000  }
0x141: {  	[tilespmem:s25], [sflag:$0x1] =	stream.indirect.gather [hbm4b:s4+s24], $0x80, s0, s24, $0xb8;
	[tilespmem:$0x19840] =	vst v63  }
0x142: {  	s3 =	sadd.s32 $0xF0C0, s31  }
0x143: {  	[tilespmem:s26], [sflag:$0x2] =	stream.indirect.gather [hbm4b:s4+s24], $0x80, s3, s24, $0xb8;
	[tilespmem:$0x19840] =	vst v63  }
0x144: {  	_ =	swait.ge [sflag:s28], $0x4000  }
0x145: {  	[sflag:s28] =	ssyncset.done $0x0  }
0x146: {  	s16 =	sadd.s32 $0x10440, s31;
	[sflag:s28] =	ssyncadd.s32 $0xFFFFC000  }
0x147: {  	[spmem:s1] =	stream.indirect.scatter.add.f32 [tilespmem:s25], [sflag:$0x3], $0x80, s16, s24, $0xb8;
	[tilespmem:$0x19840] =	vst v63  }
0x148: {  	_ =	swait.ge [sflag:s21], $0x4000  }
0x149: {  	[sflag:s21] =	ssyncset.done $0x0  }
0x14a: {  	[sflag:s21] =	ssyncadd.s32 $0xFFFFC000  }
0x14b: {  	_ =	swait.ge [sflag:s29], $0x4000  }
0x14c: {  	[sflag:s29] =	ssyncset.done $0x0  }
0x14d: {  	s2 =	sadd.s32 $0x104C0, s31;
	[sflag:s29] =	ssyncadd.s32 $0xFFFFC000  }
0x14e: {  	[spmem:s1] =	stream.indirect.scatter.add.f32 [tilespmem:s26], [sflag:$0x3], $0x80, s2, s24, $0xb8;
	[tilespmem:$0x19840] =	vst v63  }
0x14f: {  	_ =	swait.ge [sflag:s21], $0x4000  }
0x150: {  	[sflag:s21] =	ssyncset.done $0x0  }
0x151: {  	s3 =	simm.s32 $0x0;
	[sflag:s21] =	ssyncadd.s32 $0xFFFFC000  }
0x152: {  	[tilespmem:s22], [sflag:$0x3] =	stream.linear.gather [hbm4b:s12+s3], $0x1400, $0x38;
	[tilespmem:$0x19840] =	vst v63  }
0x153: {  	_ =	swait.ge [sflag:s21], $0x1400  }
0x154: {  	[sflag:s21] =	ssyncset.done $0x0  }
0x155: {  	s2 =	sadd.s32 s10, s17;
	[sflag:s21] =	ssyncadd.s32 $0xFFFFEC00  }
0x156: {  	[tilespmem:s23], [sflag:$0x3] =	stream.linear.gather [hbm4b:s2+s3], $0x1400, $0x38;
	[tilespmem:$0x19840] =	vst v63  }
0x157: {  	_ =	swait.ge [sflag:s21], $0x1400  }
0x158: {  	[sflag:s21] =	ssyncset.done $0x0  }
0x159: {  	s16 =	simm.s32 $0xF040;
	[sflag:s21] =	ssyncadd.s32 $0xFFFFEC00  }
0x15a: {  	[tilespmem:s25], [sflag:$0x1] =	stream.indirect.gather [hbm4b:s4+s24], $0x80, s16, s24, $0xb8;
	[tilespmem:$0x19840] =	vst v63  }
0x15b: {  	s2 =	simm.s32 $0xF0C0  }
0x15c: {  	[tilespmem:s26], [sflag:$0x2] =	stream.indirect.gather [hbm4b:s4+s24], $0x80, s2, s24, $0xb8;
	[tilespmem:$0x19840] =	vst v63  }
0x15d: {  	_ =	swait.ge [sflag:s28], $0x4000  }
0x15e: {  	[sflag:s28] =	ssyncset.done $0x0  }
0x15f: {  	s3 =	simm.s32 $0x10440;
	[sflag:s28] =	ssyncadd.s32 $0xFFFFC000  }
0x160: {  	[spmem:s1] =	stream.indirect.scatter.add.f32 [tilespmem:s25], [sflag:$0x3], $0x80, s3, s24, $0xb8;
	[tilespmem:$0x19840] =	vst v63  }
0x161: {  	_ =	swait.ge [sflag:s21], $0x4000  }
0x162: {  	[sflag:s21] =	ssyncset.done $0x0  }
0x163: {  	[sflag:s21] =	ssyncadd.s32 $0xFFFFC000  }
0x164: {  	_ =	swait.ge [sflag:s29], $0x4000  }
0x165: {  	[sflag:s29] =	ssyncset.done $0x0  }
0x166: {  	s16 =	simm.s32 $0x104C0;
	[sflag:s29] =	ssyncadd.s32 $0xFFFFC000  }
0x167: {  	[spmem:s1] =	stream.indirect.scatter.add.f32 [tilespmem:s26], [sflag:$0x3], $0x80, s16, s24, $0xb8;
	[tilespmem:$0x19840] =	vst v63  }
0x168: {  	_ =	swait.ge [sflag:s21], $0x4000  }
0x169: {  	s31 =	simm.s32 $0x100;
	s0 =	simm.s32 $0x800;
	[sflag:s21] =	ssyncset.done $0x0  }
.LBB2_12:
0x16a: {  	s2 =	sadd.s32 $0xF040, s31  }
0x16b: {  	[sflag:s21] =	ssyncadd.s32 $0xFFFFC000;
	s3 =	smov.u32 s0;
	s16 =	sadd.s32 $0x400, s0  }
0x16c: {  	[tilespmem:s25], [sflag:$0x1] =	stream.indirect.gather [hbm4b:s4+s24], $0x80, s2, s24, $0xb8;
	[tilespmem:$0x19840] =	vst v63  }
0x16d: {  	p0 =	sne.s32 s0, $0x4C00;
	s0 =	sadd.s32 $0xF0C0, s31  }
0x16e: {  	[tilespmem:s26], [sflag:$0x2] =	stream.indirect.gather [hbm4b:s4+s24], $0x80, s0, s24, $0xb8;
	[tilespmem:$0x19840] =	vst v63  }
0x16f: {  	_ =	swait.ge [sflag:s28], $0x4000  }
0x170: {  	[sflag:s28] =	ssyncset.done $0x0  }
0x171: {  	s0 =	sadd.s32 $0x10440, s31;
	[sflag:s28] =	ssyncadd.s32 $0xFFFFC000  }
0x172: {  	[spmem:s1] =	stream.indirect.scatter.add.f32 [tilespmem:s25], [sflag:$0x3], $0x80, s0, s24, $0xb8;
	[tilespmem:$0x19840] =	vst v63  }
0x173: {  	_ =	swait.ge [sflag:s21], $0x4000  }
0x174: {  	[sflag:s21] =	ssyncset.done $0x0  }
0x175: {  	[sflag:s21] =	ssyncadd.s32 $0xFFFFC000  }
0x176: {  	_ =	swait.ge [sflag:s29], $0x4000  }
.Ltmp5:
0x177: {  	[sflag:s29] =	ssyncset.done $0x0;
	(pc) =	sbr.rel @p0 .LBB2_12-.Ltmp5, $4  }
0x178: {  	s0 =	sadd.s32 $0x104C0, s31;
	[sflag:s29] =	ssyncadd.s32 $0xFFFFC000  }
0x179: {  	[spmem:s1] =	stream.indirect.scatter.add.f32 [tilespmem:s26], [sflag:$0x3], $0x80, s0, s24, $0xb8;
	[tilespmem:$0x19840] =	vst v63  }
0x17a: {  	_ =	swait.ge [sflag:s21], $0x4000  }
0x17b: {  	s31 =	sshra.s32 s3, $0x2;
	s0 =	smov.u32 s16;
	[sflag:s21] =	ssyncset.done $0x0  }
0x17c: {  	s0 =	sadd.s32 $0xF040, s31;
	[sflag:s21] =	ssyncadd.s32 $0xFFFFC000  }
0x17d: {  	[tilespmem:s25], [sflag:$0x1] =	stream.indirect.gather [hbm4b:s4+s24], $0x80, s0, s24, $0xb8;
	[tilespmem:$0x19840] =	vst v63  }
0x17e: {  	s3 =	sadd.s32 $0xF0C0, s31  }
0x17f: {  	[tilespmem:s26], [sflag:$0x2] =	stream.indirect.gather [hbm4b:s4+s24], $0x80, s3, s24, $0xb8;
	[tilespmem:$0x19840] =	vst v63  }
0x180: {  	_ =	swait.ge [sflag:s28], $0x4000  }
0x181: {  	[sflag:s28] =	ssyncset.done $0x0  }
0x182: {  	s16 =	sadd.s32 $0x10440, s31;
	[sflag:s28] =	ssyncadd.s32 $0xFFFFC000  }
0x183: {  	[spmem:s1] =	stream.indirect.scatter.add.f32 [tilespmem:s25], [sflag:$0x3], $0x80, s16, s24, $0xb8;
	[tilespmem:$0x19840] =	vst v63  }
0x184: {  	_ =	swait.ge [sflag:s21], $0x4000  }
0x185: {  	[sflag:s21] =	ssyncset.done $0x0  }
0x186: {  	[sflag:s21] =	ssyncadd.s32 $0xFFFFC000  }
0x187: {  	_ =	swait.ge [sflag:s29], $0x4000  }
0x188: {  	[sflag:s29] =	ssyncset.done $0x0  }
0x189: {  	s2 =	sadd.s32 $0x104C0, s31;
	[sflag:s29] =	ssyncadd.s32 $0xFFFFC000  }
0x18a: {  	[spmem:s1] =	stream.indirect.scatter.add.f32 [tilespmem:s26], [sflag:$0x3], $0x80, s2, s24, $0xb8;
	[tilespmem:$0x19840] =	vst v63  }
0x18b: {  	_ =	swait.ge [sflag:s21], $0x4000  }
0x18c: {  	[sflag:s21] =	ssyncset.done $0x0  }
0x18d: {  	s3 =	simm.s32 $0x0;
	[sflag:s21] =	ssyncadd.s32 $0xFFFFC000  }
0x18e: {  	[tilespmem:s22], [sflag:$0x3] =	stream.linear.gather [hbm4b:s13+s3], $0x1400, $0x38;
	[tilespmem:$0x19840] =	vst v63  }
0x18f: {  	_ =	swait.ge [sflag:s21], $0x1400  }
0x190: {  	[sflag:s21] =	ssyncset.done $0x0  }
0x191: {  	s2 =	sadd.s32 s11, s17;
	[sflag:s21] =	ssyncadd.s32 $0xFFFFEC00  }
0x192: {  	[tilespmem:s23], [sflag:$0x3] =	stream.linear.gather [hbm4b:s2+s3], $0x1400, $0x38;
	[tilespmem:$0x19840] =	vst v63  }
0x193: {  	_ =	swait.ge [sflag:s21], $0x1400  }
0x194: {  	[sflag:s21] =	ssyncset.done $0x0  }
0x195: {  	s16 =	simm.s32 $0xF040;
	[sflag:s21] =	ssyncadd.s32 $0xFFFFEC00  }
0x196: {  	[tilespmem:s25], [sflag:$0x1] =	stream.indirect.gather [hbm4b:s4+s24], $0x80, s16, s24, $0xb8;
	[tilespmem:$0x19840] =	vst v63  }
0x197: {  	s2 =	simm.s32 $0xF0C0  }
0x198: {  	[tilespmem:s26], [sflag:$0x2] =	stream.indirect.gather [hbm4b:s4+s24], $0x80, s2, s24, $0xb8;
	[tilespmem:$0x19840] =	vst v63  }
0x199: {  	_ =	swait.ge [sflag:s28], $0x4000  }
0x19a: {  	[sflag:s28] =	ssyncset.done $0x0  }
0x19b: {  	s3 =	simm.s32 $0x10440;
	[sflag:s28] =	ssyncadd.s32 $0xFFFFC000  }
0x19c: {  	[spmem:s1] =	stream.indirect.scatter.add.f32 [tilespmem:s25], [sflag:$0x3], $0x80, s3, s24, $0xb8;
	[tilespmem:$0x19840] =	vst v63  }
0x19d: {  	_ =	swait.ge [sflag:s21], $0x4000  }
0x19e: {  	[sflag:s21] =	ssyncset.done $0x0  }
0x19f: {  	[sflag:s21] =	ssyncadd.s32 $0xFFFFC000  }
0x1a0: {  	_ =	swait.ge [sflag:s29], $0x4000  }
0x1a1: {  	[sflag:s29] =	ssyncset.done $0x0  }
0x1a2: {  	s16 =	simm.s32 $0x104C0;
	[sflag:s29] =	ssyncadd.s32 $0xFFFFC000  }
0x1a3: {  	[spmem:s1] =	stream.indirect.scatter.add.f32 [tilespmem:s26], [sflag:$0x3], $0x80, s16, s24, $0xb8;
	[tilespmem:$0x19840] =	vst v63  }
0x1a4: {  	_ =	swait.ge [sflag:s21], $0x4000  }
0x1a5: {  	s31 =	simm.s32 $0x100;
	s0 =	simm.s32 $0x800;
	[sflag:s21] =	ssyncset.done $0x0  }
.LBB2_14:
0x1a6: {  	s2 =	sadd.s32 $0xF040, s31  }
0x1a7: {  	[sflag:s21] =	ssyncadd.s32 $0xFFFFC000;
	s3 =	smov.u32 s0;
	s16 =	sadd.s32 $0x400, s0  }
0x1a8: {  	[tilespmem:s25], [sflag:$0x1] =	stream.indirect.gather [hbm4b:s4+s24], $0x80, s2, s24, $0xb8;
	[tilespmem:$0x19840] =	vst v63  }
0x1a9: {  	p0 =	sne.s32 s0, $0x4C00;
	s0 =	sadd.s32 $0xF0C0, s31  }
0x1aa: {  	[tilespmem:s26], [sflag:$0x2] =	stream.indirect.gather [hbm4b:s4+s24], $0x80, s0, s24, $0xb8;
	[tilespmem:$0x19840] =	vst v63  }
0x1ab: {  	_ =	swait.ge [sflag:s28], $0x4000  }
0x1ac: {  	[sflag:s28] =	ssyncset.done $0x0  }
0x1ad: {  	s0 =	sadd.s32 $0x10440, s31;
	[sflag:s28] =	ssyncadd.s32 $0xFFFFC000  }
0x1ae: {  	[spmem:s1] =	stream.indirect.scatter.add.f32 [tilespmem:s25], [sflag:$0x3], $0x80, s0, s24, $0xb8;
	[tilespmem:$0x19840] =	vst v63  }
0x1af: {  	_ =	swait.ge [sflag:s21], $0x4000  }
0x1b0: {  	[sflag:s21] =	ssyncset.done $0x0  }
0x1b1: {  	[sflag:s21] =	ssyncadd.s32 $0xFFFFC000  }
0x1b2: {  	_ =	swait.ge [sflag:s29], $0x4000  }
.Ltmp6:
0x1b3: {  	[sflag:s29] =	ssyncset.done $0x0;
	(pc) =	sbr.rel @p0 .LBB2_14-.Ltmp6, $4  }
0x1b4: {  	s0 =	sadd.s32 $0x104C0, s31;
	[sflag:s29] =	ssyncadd.s32 $0xFFFFC000  }
0x1b5: {  	[spmem:s1] =	stream.indirect.scatter.add.f32 [tilespmem:s26], [sflag:$0x3], $0x80, s0, s24, $0xb8;
	[tilespmem:$0x19840] =	vst v63  }
0x1b6: {  	_ =	swait.ge [sflag:s21], $0x4000  }
0x1b7: {  	s31 =	sshra.s32 s3, $0x2;
	s0 =	smov.u32 s16;
	[sflag:s21] =	ssyncset.done $0x0  }
0x1b8: {  	s0 =	sadd.s32 $0xF040, s31;
	[sflag:s21] =	ssyncadd.s32 $0xFFFFC000  }
0x1b9: {  	[tilespmem:s25], [sflag:$0x1] =	stream.indirect.gather [hbm4b:s4+s24], $0x80, s0, s24, $0xb8;
	[tilespmem:$0x19840] =	vst v63  }
0x1ba: {  	s3 =	sadd.s32 $0xF0C0, s31  }
0x1bb: {  	[tilespmem:s26], [sflag:$0x2] =	stream.indirect.gather [hbm4b:s4+s24], $0x80, s3, s24, $0xb8;
	[tilespmem:$0x19840] =	vst v63  }
0x1bc: {  	_ =	swait.ge [sflag:s28], $0x4000  }
0x1bd: {  	[sflag:s28] =	ssyncset.done $0x0  }
0x1be: {  	s16 =	sadd.s32 $0x10440, s31;
	[sflag:s28] =	ssyncadd.s32 $0xFFFFC000  }
0x1bf: {  	[spmem:s1] =	stream.indirect.scatter.add.f32 [tilespmem:s25], [sflag:$0x3], $0x80, s16, s24, $0xb8;
	[tilespmem:$0x19840] =	vst v63  }
0x1c0: {  	_ =	swait.ge [sflag:s21], $0x4000  }
0x1c1: {  	[sflag:s21] =	ssyncset.done $0x0  }
0x1c2: {  	[sflag:s21] =	ssyncadd.s32 $0xFFFFC000  }
0x1c3: {  	_ =	swait.ge [sflag:s29], $0x4000  }
0x1c4: {  	[sflag:s29] =	ssyncset.done $0x0  }
0x1c5: {  	s2 =	sadd.s32 $0x104C0, s31;
	[sflag:s29] =	ssyncadd.s32 $0xFFFFC000  }
0x1c6: {  	[spmem:s1] =	stream.indirect.scatter.add.f32 [tilespmem:s26], [sflag:$0x3], $0x80, s2, s24, $0xb8;
	[tilespmem:$0x19840] =	vst v63  }
0x1c7: {  	_ =	swait.ge [sflag:s21], $0x4000  }
0x1c8: {  	[sflag:s21] =	ssyncset.done $0x0  }
0x1c9: {  	s3 =	simm.s32 $0x0;
	[sflag:s21] =	ssyncadd.s32 $0xFFFFC000  }
0x1ca: {  	[tilespmem:s22], [sflag:$0x3] =	stream.linear.gather [hbm4b:s15+s3], $0x1400, $0x38;
	[tilespmem:$0x19840] =	vst v63  }
0x1cb: {  	_ =	swait.ge [sflag:s21], $0x1400  }
0x1cc: {  	[sflag:s21] =	ssyncset.done $0x0  }
0x1cd: {  	s2 =	sadd.s32 s14, s17;
	[sflag:s21] =	ssyncadd.s32 $0xFFFFEC00  }
0x1ce: {  	[tilespmem:s23], [sflag:$0x3] =	stream.linear.gather [hbm4b:s2+s3], $0x1400, $0x38;
	[tilespmem:$0x19840] =	vst v63  }
0x1cf: {  	_ =	swait.ge [sflag:s21], $0x1400  }
0x1d0: {  	[sflag:s21] =	ssyncset.done $0x0  }
0x1d1: {  	s16 =	simm.s32 $0xF040;
	[sflag:s21] =	ssyncadd.s32 $0xFFFFEC00  }
0x1d2: {  	[tilespmem:s25], [sflag:$0x1] =	stream.indirect.gather [hbm4b:s4+s24], $0x80, s16, s24, $0xb8;
	[tilespmem:$0x19840] =	vst v63  }
0x1d3: {  	s2 =	simm.s32 $0xF0C0  }
0x1d4: {  	[tilespmem:s26], [sflag:$0x2] =	stream.indirect.gather [hbm4b:s4+s24], $0x80, s2, s24, $0xb8;
	[tilespmem:$0x19840] =	vst v63  }
0x1d5: {  	_ =	swait.ge [sflag:s28], $0x4000  }
0x1d6: {  	[sflag:s28] =	ssyncset.done $0x0  }
0x1d7: {  	s3 =	simm.s32 $0x10440;
	[sflag:s28] =	ssyncadd.s32 $0xFFFFC000  }
0x1d8: {  	[spmem:s1] =	stream.indirect.scatter.add.f32 [tilespmem:s25], [sflag:$0x3], $0x80, s3, s24, $0xb8;
	[tilespmem:$0x19840] =	vst v63  }
0x1d9: {  	_ =	swait.ge [sflag:s21], $0x4000  }
0x1da: {  	[sflag:s21] =	ssyncset.done $0x0  }
0x1db: {  	[sflag:s21] =	ssyncadd.s32 $0xFFFFC000  }
0x1dc: {  	_ =	swait.ge [sflag:s29], $0x4000  }
0x1dd: {  	[sflag:s29] =	ssyncset.done $0x0  }
0x1de: {  	s16 =	simm.s32 $0x104C0;
	[sflag:s29] =	ssyncadd.s32 $0xFFFFC000  }
0x1df: {  	[spmem:s1] =	stream.indirect.scatter.add.f32 [tilespmem:s26], [sflag:$0x3], $0x80, s16, s24, $0xb8;
	[tilespmem:$0x19840] =	vst v63  }
0x1e0: {  	_ =	swait.ge [sflag:s21], $0x4000  }
0x1e1: {  	s31 =	simm.s32 $0x100;
	s0 =	simm.s32 $0x800;
	[sflag:s21] =	ssyncset.done $0x0  }
.LBB2_16:
0x1e2: {  	s2 =	sadd.s32 $0xF040, s31  }
0x1e3: {  	[sflag:s21] =	ssyncadd.s32 $0xFFFFC000;
	s3 =	smov.u32 s0;
	s16 =	sadd.s32 $0x400, s0  }
0x1e4: {  	[tilespmem:s25], [sflag:$0x1] =	stream.indirect.gather [hbm4b:s4+s24], $0x80, s2, s24, $0xb8;
	[tilespmem:$0x19840] =	vst v63  }
0x1e5: {  	p0 =	sne.s32 s0, $0x4C00;
	s0 =	sadd.s32 $0xF0C0, s31  }
0x1e6: {  	[tilespmem:s26], [sflag:$0x2] =	stream.indirect.gather [hbm4b:s4+s24], $0x80, s0, s24, $0xb8;
	[tilespmem:$0x19840] =	vst v63  }
0x1e7: {  	_ =	swait.ge [sflag:s28], $0x4000  }
0x1e8: {  	[sflag:s28] =	ssyncset.done $0x0  }
0x1e9: {  	s0 =	sadd.s32 $0x10440, s31;
	[sflag:s28] =	ssyncadd.s32 $0xFFFFC000  }
0x1ea: {  	[spmem:s1] =	stream.indirect.scatter.add.f32 [tilespmem:s25], [sflag:$0x3], $0x80, s0, s24, $0xb8;
	[tilespmem:$0x19840] =	vst v63  }
0x1eb: {  	_ =	swait.ge [sflag:s21], $0x4000  }
0x1ec: {  	[sflag:s21] =	ssyncset.done $0x0  }
0x1ed: {  	[sflag:s21] =	ssyncadd.s32 $0xFFFFC000  }
0x1ee: {  	_ =	swait.ge [sflag:s29], $0x4000  }
.Ltmp7:
0x1ef: {  	[sflag:s29] =	ssyncset.done $0x0;
	(pc) =	sbr.rel @p0 .LBB2_16-.Ltmp7, $4  }
0x1f0: {  	s0 =	sadd.s32 $0x104C0, s31;
	[sflag:s29] =	ssyncadd.s32 $0xFFFFC000  }
0x1f1: {  	[spmem:s1] =	stream.indirect.scatter.add.f32 [tilespmem:s26], [sflag:$0x3], $0x80, s0, s24, $0xb8;
	[tilespmem:$0x19840] =	vst v63  }
0x1f2: {  	_ =	swait.ge [sflag:s21], $0x4000  }
0x1f3: {  	s31 =	sshra.s32 s3, $0x2;
	s0 =	smov.u32 s16;
	[sflag:s21] =	ssyncset.done $0x0  }
0x1f4: {  	s0 =	sadd.s32 $0xF040, s31;
	[sflag:s21] =	ssyncadd.s32 $0xFFFFC000  }
0x1f5: {  	[tilespmem:s25], [sflag:$0x1] =	stream.indirect.gather [hbm4b:s4+s24], $0x80, s0, s24, $0xb8;
	[tilespmem:$0x19840] =	vst v63  }
0x1f6: {  	s3 =	sadd.s32 $0xF0C0, s31  }
0x1f7: {  	[tilespmem:s26], [sflag:$0x2] =	stream.indirect.gather [hbm4b:s4+s24], $0x80, s3, s24, $0xb8;
	[tilespmem:$0x19840] =	vst v63  }
0x1f8: {  	_ =	swait.ge [sflag:s28], $0x4000  }
0x1f9: {  	[sflag:s28] =	ssyncset.done $0x0  }
0x1fa: {  	s16 =	sadd.s32 $0x10440, s31;
	[sflag:s28] =	ssyncadd.s32 $0xFFFFC000  }
0x1fb: {  	[spmem:s1] =	stream.indirect.scatter.add.f32 [tilespmem:s25], [sflag:$0x3], $0x80, s16, s24, $0xb8;
	[tilespmem:$0x19840] =	vst v63  }
0x1fc: {  	_ =	swait.ge [sflag:s21], $0x4000  }
0x1fd: {  	[sflag:s21] =	ssyncset.done $0x0  }
0x1fe: {  	[sflag:s21] =	ssyncadd.s32 $0xFFFFC000  }
0x1ff: {  	_ =	swait.ge [sflag:s29], $0x4000  }
0x200: {  	[sflag:s29] =	ssyncset.done $0x0  }
0x201: {  	s31 =	sadd.s32 $0x104C0, s31;
	[sflag:s29] =	ssyncadd.s32 $0xFFFFC000  }
0x202: {  	[spmem:s1] =	stream.indirect.scatter.add.f32 [tilespmem:s26], [sflag:$0x3], $0x80, s31, s24, $0xb8;
	[tilespmem:$0x19840] =	vst v63  }
0x203: {  	_ =	swait.ge [sflag:s21], $0x4000  }
0x204: {  	s30 =	sadd.s32 $0x1, s30;
	[sflag:s21] =	ssyncset.done $0x0  }
0x205: {  	p0 =	sne.s32 s30, s19;
	[sflag:s21] =	ssyncadd.s32 $0xFFFFC000  }
.Ltmp8:
0x206: {  	[bflag:$0x0] =	sbarrier.arrive $0xFFFF;
	(pc) =	sbr.rel @p0 .LBB2_1-.Ltmp8, $4  }
0x207: {  	[hbm:s18], [sflag:s7] =	dma.local [spmem:s20], $0x1E00  }
0x208: {  	_ =	swait.ge [sflag:s21], $0x1E00  }
0x209: {  	[sflag:s21] =	ssyncset.done $0x0  }
0x20a: {  	[sflag:s21] =	ssyncadd.s32 $0xFFFFE200  }
0x20b: {  	_ =	sfence.sel $0x180000  }
0x20c: {  	[bflag:$0x0] =	sbarrier.arrive $0xFFFF  }
0x20d: {  	_ =	strace $0x90000047  }
0x20e: {  	s0 =	stileid.u32;
	[bflag:$0x2] =	sbarrier.arrive $0xFFFF  }
0x20f: {  	p0 =	sne.s32 s0, $0x0;
	s0 =	rddreg [dreg:$0x3]  }
0x210: {  	s0 =	sadd.s32 @!p0 $0x100000, s0  }
0x211: {  	[sflag:s0] =	ssyncadd.tile.s32 @!p0 $0x1;
	_ =	shalt  }
.Lfunc_end2:
_tile_overlayer_lowered:
.L_overlay_start_2:
0x212: {  	(tag) =	ssettag $0x2  }
0x213: {  	s0 =	rddreg [dreg:$0x0];
	s2 =	stileid.u32  }
0x214: {  	s1 =	rddreg [dreg:$0x1];
	p0 =	sne.s32 s2, $0x0  }
0x215: {  	s3 =	rddreg [dreg:$0x2];
	[bflag:$0x3] =	sbarrier.arrive $0xFFFF;
	s2 =	simm.s32 @!p0 $0x1C03  }
0x216: {  	[timem:s3], [sflag:s2] =	dma.local @!p0 [hbm:s0], s1  }
0x217: {  	s0 =	simm.s32 @!p0 $0x3  }
0x218: {  	_ =	swait.ge @!p0 [sflag:s0], s1  }
0x219: {  	s1 =	ssub.s32 @!p0 $0x0, s1;
	[sflag:s0] =	ssyncset.done @!p0 $0x0  }
0x21a: {  	[sflag:s0] =	ssyncadd.s32 @!p0 s1  }
0x21b: {  	[bflag:$0x3] =	sbarrier.arrive $0xFFFF  }
0x21c: {  	_ =	shalt  }

</sc_bundles>
